<compile_context>
chip_gen: v7x
topology: tpu7x:2x2x1
jax: 0.10.2.dev20260603
libtpu: 0.0.44.dev20260713+nightly
codegen_flags: <defaults>
</compile_context>

<pallas_src>
import functools

import jax
import jax.numpy as jnp
from jax import lax
from jax.experimental import pallas as pl
from jax.experimental.pallas import tpu as pltpu
from jax.experimental.pallas import tpu_sc as plsc

VOCAB = 100000
EMB = 128
FT = 64
B = 4096
L = 200

BT = B * L
NC, NS = 2, 16
NW = NC * NS
PW = BT // NW
C = 128
NCHUNK = PW // C
VL = 16


def _sc_embed(idx2d, table, tune_pad):
    mesh = plsc.VectorSubcoreMesh(core_axis_name="c", subcore_axis_name="s")

    @functools.partial(
        pl.kernel,
        mesh=mesh,
        out_type=jax.ShapeDtypeStruct((BT, EMB + FT), jnp.float32),
        scratch_types=[
            pltpu.VMEM((NCHUNK, C), jnp.int32),
            pltpu.VMEM((C, EMB + FT), jnp.float32),
            pltpu.VMEM((C, EMB + FT), jnp.float32),
            pltpu.VMEM((C, EMB), jnp.float32),
            pltpu.VMEM((C, EMB), jnp.float32),
            pltpu.SemaphoreType.DMA,
            pltpu.SemaphoreType.DMA,
            pltpu.SemaphoreType.DMA,
            pltpu.SemaphoreType.DMA,
            pltpu.SemaphoreType.DMA,
            pltpu.SemaphoreType.DMA,
        ],
    )
    def k(idx_hbm, tab_hbm, tun_hbm, out_hbm, idx_all,
          row0, row1, tu0, tu1, g0, g1, t0, t1, w0, w1):
        wid = lax.axis_index("s") * NC + lax.axis_index("c")
        elem_base = wid * PW
        rows = (row0, row1)
        tu = (tu0, tu1)
        gs = (g0, g1)
        ts = (t0, t1)
        ws = (w0, w1)

        pltpu.sync_copy(idx_hbm.at[pl.ds(wid * NCHUNK, NCHUNK)], idx_all)

        def tab_args(i, b):
            return (tab_hbm.at[idx_all.at[i]], rows[b].at[:, pl.ds(0, EMB)])

        def tun_args(i, b):
            return (tun_hbm.at[idx_all.at[i]], tu[b])

        def fire_tune(i, b):
            src, dst = tun_args(i, b)
            pltpu.async_copy(src, dst, ts[b])

        def fire_table(i, b):
            src, dst = tab_args(i, b)
            pltpu.async_copy(src, dst, gs[b])

        def wait_gathers(i, b):
            src, dst = tab_args(i, b)
            pltpu.make_async_copy(src, dst, gs[b]).wait()
            src, dst = tun_args(i, b)
            pltpu.make_async_copy(src, dst, ts[b]).wait()

        def repack(b):
            def body(r, carry):
                for j in range(FT // VL):
                    rows[b][r, pl.ds(EMB + j * VL, VL)] = (
                        tu[b][r, pl.ds(j * VL, VL)])
                return carry
            lax.fori_loop(0, C, body, 0)

        def fire_write(i, b):
            pltpu.async_copy(rows[b], out_hbm.at[pl.ds(elem_base + i * C, C)],
                             ws[b])

        def wait_write(i, b):
            pltpu.make_async_copy(rows[b],
                                  out_hbm.at[pl.ds(elem_base + i * C, C)],
                                  ws[b]).wait()

        fire_tune(0, 0)
        fire_table(0, 0)

        def pair(t, carry):
            for p in (0, 1):
                i = 2 * t + p
                b = p

                @pl.when(i < NCHUNK - 1)
                def _():
                    fire_tune(i + 1, 1 - b)

                @pl.when(i > 0)
                def _():
                    wait_write(i - 1, 1 - b)

                @pl.when(i < NCHUNK - 1)
                def _():
                    fire_table(i + 1, 1 - b)

                wait_gathers(i, b)
                repack(b)
                fire_write(i, b)
            return carry

        lax.fori_loop(0, NCHUNK // 2, pair, 0)
        wait_write(NCHUNK - 1, 1)

    return k(idx2d, table, tune_pad)


def kernel(text, table, tune_table):
    idx2d = text.reshape(BT // C, C)
    tune_pad = jnp.pad(tune_table, ((0, 0), (0, EMB - FT)))
    out = _sc_embed(idx2d, table, tune_pad)
    return out.reshape(B, L, EMB + FT)

# --- scband reference (transcript-rebuilt; emitter-appended) ---
"""Pipeline reference for scband-embedding-45655502357114 (READ-ONLY COPY).

The authoritative reference and input builder live on the scoring server;
editing this copy changes nothing except your own understanding.
"""

import jax, jax.numpy as jnp
import numpy as np

VOCAB = 100000
EMB = 128
FT = 64
B = 4096
L = 200

def setup_inputs(seed: int = 0) -> dict:
    key = jax.random.key(seed)
    k1, k2, k3 = jax.random.split(key, 3)
    text = jax.random.randint(k1, (B, L), 0, VOCAB, dtype=jnp.int64 if jax.config.jax_enable_x64 else jnp.int32).astype(jnp.int32)
    table = jax.random.normal(k2, (VOCAB, EMB), dtype=jnp.float32)
    tune_table = jax.random.normal(k3, (VOCAB, FT), dtype=jnp.float32)
    return {"text": text, "table": table, "tune_table": tune_table}

def reference(text, table, tune_table):
    # Embedding.forward: main (frozen) embedding lookup, optional fine-tune embedding lookup, concat on dim 2
    out = jnp.take(table, text, axis=0).astype(jnp.float32)
    tune_out = jnp.take(tune_table, text, axis=0).astype(jnp.float32)
    output = jnp.concatenate([out, tune_out], axis=2)
    return output

if __name__ == "__main__":
    import jax
    _d = setup_inputs()
    print(jax.jit(kernel)(*tuple(_d.values())))

</pallas_src>

<mosaic_0001>
#map = affine_map<(d0, d1) -> (0, 0)>
module attributes {stable_mosaic.version = 14 : i64} {
  func.func @k(%arg0: i32, %arg1: i32, %arg2: memref<6400x128xi32, #tpu.memory_space<hbm>>, %arg3: memref<100000x128xf32, #tpu.memory_space<hbm>>, %arg4: memref<100000x128xf32, #tpu.memory_space<hbm>>, %arg5: memref<819200x192xf32, #tpu.memory_space<hbm>>, %arg6: memref<200x128xi32, #tpu.memory_space<vmem>>, %arg7: memref<128x192xf32, #tpu.memory_space<vmem>>, %arg8: memref<128x192xf32, #tpu.memory_space<vmem>>, %arg9: memref<128x128xf32, #tpu.memory_space<vmem>>, %arg10: memref<128x128xf32, #tpu.memory_space<vmem>>, %arg11: memref<!tpu.dma_semaphore, #tpu.memory_space<semaphore_mem>>, %arg12: memref<!tpu.dma_semaphore, #tpu.memory_space<semaphore_mem>>, %arg13: memref<!tpu.dma_semaphore, #tpu.memory_space<semaphore_mem>>, %arg14: memref<!tpu.dma_semaphore, #tpu.memory_space<semaphore_mem>>, %arg15: memref<!tpu.dma_semaphore, #tpu.memory_space<semaphore_mem>>, %arg16: memref<!tpu.dma_semaphore, #tpu.memory_space<semaphore_mem>>) attributes {dimension_semantics = [#tpu.dimension_semantics<core_parallel>, #tpu.dimension_semantics<subcore_parallel>], iteration_bounds = array<i64: 2, 16>, scalar_prefetch = 0 : i64, scratch_operands = 11 : i64, tpu.core_type = #tpu.core_type<sc_vector_subcore>, window_params = [{transform_indices = #map}, {transform_indices = #map}, {transform_indices = #map}, {transform_indices = #map}]} {
    %mul3A = arith.constant 2 : i32
    %mul3A_0 = arith.muli %arg1, %mul3A : i32
    %add3A = arith.addi %mul3A_0, %arg0 : i32
    %mul3A_1 = arith.constant 25600 : i32
    %mul3A_2 = arith.muli %add3A, %mul3A_1 : i32
    %mul3A_3 = arith.constant 200 : i32
    %mul3A_4 = arith.muli %add3A, %mul3A_3 : i32
    "tpu.region"() ({
      %run_scoped3A = tpu.sem_alloc : memref<!tpu.dma_semaphore, #tpu.memory_space<semaphore_mem>>
      %dma_start3A_31 = arith.constant 0 : i32
      %dma_start3A_32 = tpu.memref_slice %arg2[%mul3A_4, %dma_start3A_31] : memref<6400x128xi32, #tpu.memory_space<hbm>> -> memref<200x128xi32, #tpu.memory_space<hbm>>
      %dma_start3A_33 = arith.constant 0 : i32
      %dma_start3A_34 = tpu.memref_slice %arg2[%mul3A_4, %dma_start3A_33] : memref<6400x128xi32, #tpu.memory_space<hbm>> -> memref<200x128xi32, #tpu.memory_space<hbm>>
      tpu.enqueue_dma source(%dma_start3A_34 : memref<200x128xi32, #tpu.memory_space<hbm>>) target(%arg6 : memref<200x128xi32, #tpu.memory_space<vmem>>) target_semaphore(%run_scoped3A : memref<!tpu.dma_semaphore, #tpu.memory_space<semaphore_mem>>)
      %dma_wait3A_35 = arith.constant 0 : i32
      %dma_wait3A_36 = tpu.memref_slice %arg2[%mul3A_4, %dma_wait3A_35] : memref<6400x128xi32, #tpu.memory_space<hbm>> -> memref<200x128xi32, #tpu.memory_space<hbm>>
      %dma_wait3A_37 = arith.constant 0 : i32
      %dma_wait3A_38 = tpu.memref_slice %arg2[%mul3A_4, %dma_wait3A_37] : memref<6400x128xi32, #tpu.memory_space<hbm>> -> memref<200x128xi32, #tpu.memory_space<hbm>>
      tpu.wait_dma2 semaphore(%run_scoped3A : memref<!tpu.dma_semaphore, #tpu.memory_space<semaphore_mem>>) src(%dma_wait3A_38 : memref<200x128xi32, #tpu.memory_space<hbm>>) dst(%arg6 : memref<200x128xi32, #tpu.memory_space<vmem>>)
      tpu.yield
    }) : () -> ()
    %dma_start3A = arith.constant 0 : i32
    %dma_start3A_5 = arith.constant 0 : i32
    %dma_start3A_6 = tpu.memref_slice %arg6[%dma_start3A, %dma_start3A_5] : memref<200x128xi32, #tpu.memory_space<vmem>> -> memref<1x128xi32, #tpu.memory_space<vmem>>
    %dma_start3A_7 = tpu.memref_squeeze %dma_start3A_6 : memref<1x128xi32, #tpu.memory_space<vmem>> -> memref<128xi32, #tpu.memory_space<vmem>>
    %dma_start3A_8 = arith.constant 0 : i32
    %dma_start3A_9 = arith.constant 0 : i32
    %dma_start3A_10 = tpu.memref_slice %arg4[%dma_start3A_8, %dma_start3A_9] : memref<100000x128xf32, #tpu.memory_space<hbm>> -> memref<100000x128xf32, #tpu.memory_space<hbm>>
    tpu.enqueue_indirect_dma source(%dma_start3A_10 : memref<100000x128xf32, #tpu.memory_space<hbm>>) target(%arg9 : memref<128x128xf32, #tpu.memory_space<vmem>>) offsets(%dma_start3A_7 : memref<128xi32, #tpu.memory_space<vmem>>) semaphore(%arg13 : memref<!tpu.dma_semaphore, #tpu.memory_space<semaphore_mem>>)
    %dma_start3A_11 = arith.constant 0 : i32
    %dma_start3A_12 = arith.constant 0 : i32
    %dma_start3A_13 = arith.constant 0 : i32
    %dma_start3A_14 = tpu.memref_slice %arg7[%dma_start3A_12, %dma_start3A_13] : memref<128x192xf32, #tpu.memory_space<vmem>> -> memref<128x128xf32, #tpu.memory_space<vmem>>
    %dma_start3A_15 = arith.constant 0 : i32
    %dma_start3A_16 = tpu.memref_slice %arg6[%dma_start3A_11, %dma_start3A_15] : memref<200x128xi32, #tpu.memory_space<vmem>> -> memref<1x128xi32, #tpu.memory_space<vmem>>
    %dma_start3A_17 = tpu.memref_squeeze %dma_start3A_16 : memref<1x128xi32, #tpu.memory_space<vmem>> -> memref<128xi32, #tpu.memory_space<vmem>>
    %dma_start3A_18 = arith.constant 0 : i32
    %dma_start3A_19 = arith.constant 0 : i32
    %dma_start3A_20 = tpu.memref_slice %arg3[%dma_start3A_18, %dma_start3A_19] : memref<100000x128xf32, #tpu.memory_space<hbm>> -> memref<100000x128xf32, #tpu.memory_space<hbm>>
    tpu.enqueue_indirect_dma source(%dma_start3A_20 : memref<100000x128xf32, #tpu.memory_space<hbm>>) target(%dma_start3A_14 : memref<128x128xf32, #tpu.memory_space<vmem>>) offsets(%dma_start3A_17 : memref<128xi32, #tpu.memory_space<vmem>>) semaphore(%arg11 : memref<!tpu.dma_semaphore, #tpu.memory_space<semaphore_mem>>)
    %scan3A = arith.constant 0 : i32
    %scan3A_21 = arith.constant 0 : i32
    %scan3A_22 = arith.constant 100 : i32
    %scan3A_23 = arith.addi %scan3A_21, %scan3A_22 : i32
    %scan3A_24 = arith.constant 1 : i32
    scf.for %scan3A_31 = %scan3A_21 to %scan3A_23 step %scan3A_24  : i32 {
      %mul3A_32 = arith.constant 2 : i32
      %mul3A_33 = arith.muli %mul3A_32, %scan3A_31 : i32
      %add3A_34 = arith.constant 0 : i32
      %add3A_35 = arith.addi %mul3A_33, %add3A_34 : i32
      %lt3A = arith.constant 199 : i32
      %lt3A_36 = arith.cmpi slt, %add3A_35, %lt3A : i32
      %convert_element_type3A = arith.extui %lt3A_36 : i1 to i32
      %cond3A = arith.constant 0 : i32
      %cond3A_37 = arith.cmpi ne, %convert_element_type3A, %cond3A : i32
      scf.if %cond3A_37 {
        %add3A_122 = arith.constant 1 : i32
        %add3A_123 = arith.addi %add3A_35, %add3A_122 : i32
        %dma_start3A_124 = arith.constant 0 : i32
        %dma_start3A_125 = tpu.memref_slice %arg6[%add3A_123, %dma_start3A_124] : memref<200x128xi32, #tpu.memory_space<vmem>> -> memref<1x128xi32, #tpu.memory_space<vmem>>
        %dma_start3A_126 = tpu.memref_squeeze %dma_start3A_125 : memref<1x128xi32, #tpu.memory_space<vmem>> -> memref<128xi32, #tpu.memory_space<vmem>>
        %dma_start3A_127 = arith.constant 0 : i32
        %dma_start3A_128 = arith.constant 0 : i32
        %dma_start3A_129 = tpu.memref_slice %arg4[%dma_start3A_127, %dma_start3A_128] : memref<100000x128xf32, #tpu.memory_space<hbm>> -> memref<100000x128xf32, #tpu.memory_space<hbm>>
        tpu.enqueue_indirect_dma source(%dma_start3A_129 : memref<100000x128xf32, #tpu.memory_space<hbm>>) target(%arg10 : memref<128x128xf32, #tpu.memory_space<vmem>>) offsets(%dma_start3A_126 : memref<128xi32, #tpu.memory_space<vmem>>) semaphore(%arg14 : memref<!tpu.dma_semaphore, #tpu.memory_space<semaphore_mem>>)
      } else {
      }
      %gt3A = arith.constant 0 : i32
      %gt3A_38 = arith.cmpi sgt, %add3A_35, %gt3A : i32
      %convert_element_type3A_39 = arith.extui %gt3A_38 : i1 to i32
      %cond3A_40 = arith.constant 0 : i32
      %cond3A_41 = arith.cmpi ne, %convert_element_type3A_39, %cond3A_40 : i32
      scf.if %cond3A_41 {
        %sub3A = arith.constant 1 : i32
        %sub3A_122 = arith.subi %add3A_35, %sub3A : i32
        %mul3A_123 = arith.constant 128 : i32
        %mul3A_124 = arith.muli %sub3A_122, %mul3A_123 : i32
        %add3A_125 = arith.addi %mul3A_2, %mul3A_124 : i32
        %dma_wait3A_126 = arith.constant 0 : i32
        %dma_wait3A_127 = tpu.memref_slice %arg5[%add3A_125, %dma_wait3A_126] : memref<819200x192xf32, #tpu.memory_space<hbm>> -> memref<128x192xf32, #tpu.memory_space<hbm>>
        %dma_wait3A_128 = arith.constant 0 : i32
        %dma_wait3A_129 = tpu.memref_slice %arg5[%add3A_125, %dma_wait3A_128] : memref<819200x192xf32, #tpu.memory_space<hbm>> -> memref<128x192xf32, #tpu.memory_space<hbm>>
        tpu.wait_dma2 semaphore(%arg16 : memref<!tpu.dma_semaphore, #tpu.memory_space<semaphore_mem>>) src(%arg8 : memref<128x192xf32, #tpu.memory_space<vmem>>) dst(%dma_wait3A_129 : memref<128x192xf32, #tpu.memory_space<hbm>>)
      } else {
      }
      %lt3A_42 = arith.constant 199 : i32
      %lt3A_43 = arith.cmpi slt, %add3A_35, %lt3A_42 : i32
      %convert_element_type3A_44 = arith.extui %lt3A_43 : i1 to i32
      %cond3A_45 = arith.constant 0 : i32
      %cond3A_46 = arith.cmpi ne, %convert_element_type3A_44, %cond3A_45 : i32
      scf.if %cond3A_46 {
        %add3A_122 = arith.constant 1 : i32
        %add3A_123 = arith.addi %add3A_35, %add3A_122 : i32
        %dma_start3A_124 = arith.constant 0 : i32
        %dma_start3A_125 = arith.constant 0 : i32
        %dma_start3A_126 = tpu.memref_slice %arg8[%dma_start3A_124, %dma_start3A_125] : memref<128x192xf32, #tpu.memory_space<vmem>> -> memref<128x128xf32, #tpu.memory_space<vmem>>
        %dma_start3A_127 = arith.constant 0 : i32
        %dma_start3A_128 = tpu.memref_slice %arg6[%add3A_123, %dma_start3A_127] : memref<200x128xi32, #tpu.memory_space<vmem>> -> memref<1x128xi32, #tpu.memory_space<vmem>>
        %dma_start3A_129 = tpu.memref_squeeze %dma_start3A_128 : memref<1x128xi32, #tpu.memory_space<vmem>> -> memref<128xi32, #tpu.memory_space<vmem>>
        %dma_start3A_130 = arith.constant 0 : i32
        %dma_start3A_131 = arith.constant 0 : i32
        %dma_start3A_132 = tpu.memref_slice %arg3[%dma_start3A_130, %dma_start3A_131] : memref<100000x128xf32, #tpu.memory_space<hbm>> -> memref<100000x128xf32, #tpu.memory_space<hbm>>
        tpu.enqueue_indirect_dma source(%dma_start3A_132 : memref<100000x128xf32, #tpu.memory_space<hbm>>) target(%dma_start3A_126 : memref<128x128xf32, #tpu.memory_space<vmem>>) offsets(%dma_start3A_129 : memref<128xi32, #tpu.memory_space<vmem>>) semaphore(%arg12 : memref<!tpu.dma_semaphore, #tpu.memory_space<semaphore_mem>>)
      } else {
      }
      %dma_wait3A_47 = arith.constant 0 : i32
      %dma_wait3A_48 = arith.constant 0 : i32
      %dma_wait3A_49 = tpu.memref_slice %arg7[%dma_wait3A_47, %dma_wait3A_48] : memref<128x192xf32, #tpu.memory_space<vmem>> -> memref<128x128xf32, #tpu.memory_space<vmem>>
      %dma_wait3A_50 = arith.constant 0 : i32
      %dma_wait3A_51 = tpu.memref_slice %arg6[%add3A_35, %dma_wait3A_50] : memref<200x128xi32, #tpu.memory_space<vmem>> -> memref<1x128xi32, #tpu.memory_space<vmem>>
      %dma_wait3A_52 = tpu.memref_squeeze %dma_wait3A_51 : memref<1x128xi32, #tpu.memory_space<vmem>> -> memref<128xi32, #tpu.memory_space<vmem>>
      %dma_wait3A_53 = arith.constant 0 : i32
      %dma_wait3A_54 = arith.constant 0 : i32
      %dma_wait3A_55 = tpu.memref_slice %arg3[%dma_wait3A_53, %dma_wait3A_54] : memref<100000x128xf32, #tpu.memory_space<hbm>> -> memref<100000x128xf32, #tpu.memory_space<hbm>>
      tpu.wait_indirect_dma semaphore(%arg11 : memref<!tpu.dma_semaphore, #tpu.memory_space<semaphore_mem>>) src(%dma_wait3A_55 : memref<100000x128xf32, #tpu.memory_space<hbm>>) dst(%dma_wait3A_49 : memref<128x128xf32, #tpu.memory_space<vmem>>)
      %dma_wait3A_56 = arith.constant 0 : i32
      %dma_wait3A_57 = tpu.memref_slice %arg6[%add3A_35, %dma_wait3A_56] : memref<200x128xi32, #tpu.memory_space<vmem>> -> memref<1x128xi32, #tpu.memory_space<vmem>>
      %dma_wait3A_58 = tpu.memref_squeeze %dma_wait3A_57 : memref<1x128xi32, #tpu.memory_space<vmem>> -> memref<128xi32, #tpu.memory_space<vmem>>
      %dma_wait3A_59 = arith.constant 0 : i32
      %dma_wait3A_60 = arith.constant 0 : i32
      %dma_wait3A_61 = tpu.memref_slice %arg4[%dma_wait3A_59, %dma_wait3A_60] : memref<100000x128xf32, #tpu.memory_space<hbm>> -> memref<100000x128xf32, #tpu.memory_space<hbm>>
      tpu.wait_indirect_dma semaphore(%arg13 : memref<!tpu.dma_semaphore, #tpu.memory_space<semaphore_mem>>) src(%dma_wait3A_61 : memref<100000x128xf32, #tpu.memory_space<hbm>>) dst(%arg9 : memref<128x128xf32, #tpu.memory_space<vmem>>)
      %scan3A_62 = arith.constant 0 : i32
      %scan3A_63 = arith.constant 0 : i32
      %scan3A_64 = arith.constant 128 : i32
      %scan3A_65 = arith.addi %scan3A_63, %scan3A_64 : i32
      %scan3A_66 = arith.constant 1 : i32
      scf.for %scan3A_122 = %scan3A_63 to %scan3A_65 step %scan3A_66  : i32 {
        %get3A = arith.index_cast %scan3A_122 : i32 to index
        %get3A_123 = arith.constant 0 : index
        %get3A_124 = tpu.vector_load %arg9[%get3A, %get3A_123] {strides = array<i32>} : memref<128x128xf32, #tpu.memory_space<vmem>>, vector<1x16xf32>,
        %get3A_125 = vector.shape_cast %get3A_124 : vector<1x16xf32> to vector<16xf32>
        %swap3A = arith.index_cast %scan3A_122 : i32 to index
        %swap3A_126 = arith.constant 128 : index
        %swap3A_127 = tpu.vector_load %arg7[%swap3A, %swap3A_126] {strides = array<i32>} : memref<128x192xf32, #tpu.memory_space<vmem>>, vector<1x16xf32>,
        %swap3A_128 = vector.shape_cast %swap3A_127 : vector<1x16xf32> to vector<16xf32>
        %swap3A_129 = vector.shape_cast %get3A_125 : vector<16xf32> to vector<1x16xf32>
        tpu.vector_store %arg7[%swap3A, %swap3A_126], %swap3A_129 {strides = array<i32>} : memref<128x192xf32, #tpu.memory_space<vmem>>, vector<1x16xf32>,
        %get3A_130 = arith.index_cast %scan3A_122 : i32 to index
        %get3A_131 = arith.constant 16 : index
        %get3A_132 = tpu.vector_load %arg9[%get3A_130, %get3A_131] {strides = array<i32>} : memref<128x128xf32, #tpu.memory_space<vmem>>, vector<1x16xf32>,
        %get3A_133 = vector.shape_cast %get3A_132 : vector<1x16xf32> to vector<16xf32>
        %swap3A_134 = arith.index_cast %scan3A_122 : i32 to index
        %swap3A_135 = arith.constant 144 : index
        %swap3A_136 = tpu.vector_load %arg7[%swap3A_134, %swap3A_135] {strides = array<i32>} : memref<128x192xf32, #tpu.memory_space<vmem>>, vector<1x16xf32>,
        %swap3A_137 = vector.shape_cast %swap3A_136 : vector<1x16xf32> to vector<16xf32>
        %swap3A_138 = vector.shape_cast %get3A_133 : vector<16xf32> to vector<1x16xf32>
        tpu.vector_store %arg7[%swap3A_134, %swap3A_135], %swap3A_138 {strides = array<i32>} : memref<128x192xf32, #tpu.memory_space<vmem>>, vector<1x16xf32>,
        %get3A_139 = arith.index_cast %scan3A_122 : i32 to index
        %get3A_140 = arith.constant 32 : index
        %get3A_141 = tpu.vector_load %arg9[%get3A_139, %get3A_140] {strides = array<i32>} : memref<128x128xf32, #tpu.memory_space<vmem>>, vector<1x16xf32>,
        %get3A_142 = vector.shape_cast %get3A_141 : vector<1x16xf32> to vector<16xf32>
        %swap3A_143 = arith.index_cast %scan3A_122 : i32 to index
        %swap3A_144 = arith.constant 160 : index
        %swap3A_145 = tpu.vector_load %arg7[%swap3A_143, %swap3A_144] {strides = array<i32>} : memref<128x192xf32, #tpu.memory_space<vmem>>, vector<1x16xf32>,
        %swap3A_146 = vector.shape_cast %swap3A_145 : vector<1x16xf32> to vector<16xf32>
        %swap3A_147 = vector.shape_cast %get3A_142 : vector<16xf32> to vector<1x16xf32>
        tpu.vector_store %arg7[%swap3A_143, %swap3A_144], %swap3A_147 {strides = array<i32>} : memref<128x192xf32, #tpu.memory_space<vmem>>, vector<1x16xf32>,
        %get3A_148 = arith.index_cast %scan3A_122 : i32 to index
        %get3A_149 = arith.constant 48 : index
        %get3A_150 = tpu.vector_load %arg9[%get3A_148, %get3A_149] {strides = array<i32>} : memref<128x128xf32, #tpu.memory_space<vmem>>, vector<1x16xf32>,
        %get3A_151 = vector.shape_cast %get3A_150 : vector<1x16xf32> to vector<16xf32>
        %swap3A_152 = arith.index_cast %scan3A_122 : i32 to index
        %swap3A_153 = arith.constant 176 : index
        %swap3A_154 = tpu.vector_load %arg7[%swap3A_152, %swap3A_153] {strides = array<i32>} : memref<128x192xf32, #tpu.memory_space<vmem>>, vector<1x16xf32>,
        %swap3A_155 = vector.shape_cast %swap3A_154 : vector<1x16xf32> to vector<16xf32>
        %swap3A_156 = vector.shape_cast %get3A_151 : vector<16xf32> to vector<1x16xf32>
        tpu.vector_store %arg7[%swap3A_152, %swap3A_153], %swap3A_156 {strides = array<i32>} : memref<128x192xf32, #tpu.memory_space<vmem>>, vector<1x16xf32>,
      }
      %scan3A_67 = arith.constant 128 : i32
      %mul3A_68 = arith.constant 128 : i32
      %mul3A_69 = arith.muli %add3A_35, %mul3A_68 : i32
      %add3A_70 = arith.addi %mul3A_2, %mul3A_69 : i32
      %dma_start3A_71 = arith.constant 0 : i32
      %dma_start3A_72 = tpu.memref_slice %arg5[%add3A_70, %dma_start3A_71] : memref<819200x192xf32, #tpu.memory_space<hbm>> -> memref<128x192xf32, #tpu.memory_space<hbm>>
      %dma_start3A_73 = arith.constant 0 : i32
      %dma_start3A_74 = tpu.memref_slice %arg5[%add3A_70, %dma_start3A_73] : memref<819200x192xf32, #tpu.memory_space<hbm>> -> memref<128x192xf32, #tpu.memory_space<hbm>>
      tpu.enqueue_dma source(%arg7 : memref<128x192xf32, #tpu.memory_space<vmem>>) target(%dma_start3A_74 : memref<128x192xf32, #tpu.memory_space<hbm>>) target_semaphore(%arg15 : memref<!tpu.dma_semaphore, #tpu.memory_space<semaphore_mem>>)
      %mul3A_75 = arith.constant 2 : i32
      %mul3A_76 = arith.muli %mul3A_75, %scan3A_31 : i32
      %add3A_77 = arith.constant 1 : i32
      %add3A_78 = arith.addi %mul3A_76, %add3A_77 : i32
      %lt3A_79 = arith.constant 199 : i32
      %lt3A_80 = arith.cmpi slt, %add3A_78, %lt3A_79 : i32
      %convert_element_type3A_81 = arith.extui %lt3A_80 : i1 to i32
      %cond3A_82 = arith.constant 0 : i32
      %cond3A_83 = arith.cmpi ne, %convert_element_type3A_81, %cond3A_82 : i32
      scf.if %cond3A_83 {
        %add3A_122 = arith.constant 1 : i32
        %add3A_123 = arith.addi %add3A_78, %add3A_122 : i32
        %dma_start3A_124 = arith.constant 0 : i32
        %dma_start3A_125 = tpu.memref_slice %arg6[%add3A_123, %dma_start3A_124] : memref<200x128xi32, #tpu.memory_space<vmem>> -> memref<1x128xi32, #tpu.memory_space<vmem>>
        %dma_start3A_126 = tpu.memref_squeeze %dma_start3A_125 : memref<1x128xi32, #tpu.memory_space<vmem>> -> memref<128xi32, #tpu.memory_space<vmem>>
        %dma_start3A_127 = arith.constant 0 : i32
        %dma_start3A_128 = arith.constant 0 : i32
        %dma_start3A_129 = tpu.memref_slice %arg4[%dma_start3A_127, %dma_start3A_128] : memref<100000x128xf32, #tpu.memory_space<hbm>> -> memref<100000x128xf32, #tpu.memory_space<hbm>>
        tpu.enqueue_indirect_dma source(%dma_start3A_129 : memref<100000x128xf32, #tpu.memory_space<hbm>>) target(%arg9 : memref<128x128xf32, #tpu.memory_space<vmem>>) offsets(%dma_start3A_126 : memref<128xi32, #tpu.memory_space<vmem>>) semaphore(%arg13 : memref<!tpu.dma_semaphore, #tpu.memory_space<semaphore_mem>>)
      } else {
      }
      %gt3A_84 = arith.constant 0 : i32
      %gt3A_85 = arith.cmpi sgt, %add3A_78, %gt3A_84 : i32
      %convert_element_type3A_86 = arith.extui %gt3A_85 : i1 to i32
      %cond3A_87 = arith.constant 0 : i32
      %cond3A_88 = arith.cmpi ne, %convert_element_type3A_86, %cond3A_87 : i32
      scf.if %cond3A_88 {
        %sub3A = arith.constant 1 : i32
        %sub3A_122 = arith.subi %add3A_78, %sub3A : i32
        %mul3A_123 = arith.constant 128 : i32
        %mul3A_124 = arith.muli %sub3A_122, %mul3A_123 : i32
        %add3A_125 = arith.addi %mul3A_2, %mul3A_124 : i32
        %dma_wait3A_126 = arith.constant 0 : i32
        %dma_wait3A_127 = tpu.memref_slice %arg5[%add3A_125, %dma_wait3A_126] : memref<819200x192xf32, #tpu.memory_space<hbm>> -> memref<128x192xf32, #tpu.memory_space<hbm>>
        %dma_wait3A_128 = arith.constant 0 : i32
        %dma_wait3A_129 = tpu.memref_slice %arg5[%add3A_125, %dma_wait3A_128] : memref<819200x192xf32, #tpu.memory_space<hbm>> -> memref<128x192xf32, #tpu.memory_space<hbm>>
        tpu.wait_dma2 semaphore(%arg15 : memref<!tpu.dma_semaphore, #tpu.memory_space<semaphore_mem>>) src(%arg7 : memref<128x192xf32, #tpu.memory_space<vmem>>) dst(%dma_wait3A_129 : memref<128x192xf32, #tpu.memory_space<hbm>>)
      } else {
      }
      %lt3A_89 = arith.constant 199 : i32
      %lt3A_90 = arith.cmpi slt, %add3A_78, %lt3A_89 : i32
      %convert_element_type3A_91 = arith.extui %lt3A_90 : i1 to i32
      %cond3A_92 = arith.constant 0 : i32
      %cond3A_93 = arith.cmpi ne, %convert_element_type3A_91, %cond3A_92 : i32
      scf.if %cond3A_93 {
        %add3A_122 = arith.constant 1 : i32
        %add3A_123 = arith.addi %add3A_78, %add3A_122 : i32
        %dma_start3A_124 = arith.constant 0 : i32
        %dma_start3A_125 = arith.constant 0 : i32
        %dma_start3A_126 = tpu.memref_slice %arg7[%dma_start3A_124, %dma_start3A_125] : memref<128x192xf32, #tpu.memory_space<vmem>> -> memref<128x128xf32, #tpu.memory_space<vmem>>
        %dma_start3A_127 = arith.constant 0 : i32
        %dma_start3A_128 = tpu.memref_slice %arg6[%add3A_123, %dma_start3A_127] : memref<200x128xi32, #tpu.memory_space<vmem>> -> memref<1x128xi32, #tpu.memory_space<vmem>>
        %dma_start3A_129 = tpu.memref_squeeze %dma_start3A_128 : memref<1x128xi32, #tpu.memory_space<vmem>> -> memref<128xi32, #tpu.memory_space<vmem>>
        %dma_start3A_130 = arith.constant 0 : i32
        %dma_start3A_131 = arith.constant 0 : i32
        %dma_start3A_132 = tpu.memref_slice %arg3[%dma_start3A_130, %dma_start3A_131] : memref<100000x128xf32, #tpu.memory_space<hbm>> -> memref<100000x128xf32, #tpu.memory_space<hbm>>
        tpu.enqueue_indirect_dma source(%dma_start3A_132 : memref<100000x128xf32, #tpu.memory_space<hbm>>) target(%dma_start3A_126 : memref<128x128xf32, #tpu.memory_space<vmem>>) offsets(%dma_start3A_129 : memref<128xi32, #tpu.memory_space<vmem>>) semaphore(%arg11 : memref<!tpu.dma_semaphore, #tpu.memory_space<semaphore_mem>>)
      } else {
      }
      %dma_wait3A_94 = arith.constant 0 : i32
      %dma_wait3A_95 = arith.constant 0 : i32
      %dma_wait3A_96 = tpu.memref_slice %arg8[%dma_wait3A_94, %dma_wait3A_95] : memref<128x192xf32, #tpu.memory_space<vmem>> -> memref<128x128xf32, #tpu.memory_space<vmem>>
      %dma_wait3A_97 = arith.constant 0 : i32
      %dma_wait3A_98 = tpu.memref_slice %arg6[%add3A_78, %dma_wait3A_97] : memref<200x128xi32, #tpu.memory_space<vmem>> -> memref<1x128xi32, #tpu.memory_space<vmem>>
      %dma_wait3A_99 = tpu.memref_squeeze %dma_wait3A_98 : memref<1x128xi32, #tpu.memory_space<vmem>> -> memref<128xi32, #tpu.memory_space<vmem>>
      %dma_wait3A_100 = arith.constant 0 : i32
      %dma_wait3A_101 = arith.constant 0 : i32
      %dma_wait3A_102 = tpu.memref_slice %arg3[%dma_wait3A_100, %dma_wait3A_101] : memref<100000x128xf32, #tpu.memory_space<hbm>> -> memref<100000x128xf32, #tpu.memory_space<hbm>>
      tpu.wait_indirect_dma semaphore(%arg12 : memref<!tpu.dma_semaphore, #tpu.memory_space<semaphore_mem>>) src(%dma_wait3A_102 : memref<100000x128xf32, #tpu.memory_space<hbm>>) dst(%dma_wait3A_96 : memref<128x128xf32, #tpu.memory_space<vmem>>)
      %dma_wait3A_103 = arith.constant 0 : i32
      %dma_wait3A_104 = tpu.memref_slice %arg6[%add3A_78, %dma_wait3A_103] : memref<200x128xi32, #tpu.memory_space<vmem>> -> memref<1x128xi32, #tpu.memory_space<vmem>>
      %dma_wait3A_105 = tpu.memref_squeeze %dma_wait3A_104 : memref<1x128xi32, #tpu.memory_space<vmem>> -> memref<128xi32, #tpu.memory_space<vmem>>
      %dma_wait3A_106 = arith.constant 0 : i32
      %dma_wait3A_107 = arith.constant 0 : i32
      %dma_wait3A_108 = tpu.memref_slice %arg4[%dma_wait3A_106, %dma_wait3A_107] : memref<100000x128xf32, #tpu.memory_space<hbm>> -> memref<100000x128xf32, #tpu.memory_space<hbm>>
      tpu.wait_indirect_dma semaphore(%arg14 : memref<!tpu.dma_semaphore, #tpu.memory_space<semaphore_mem>>) src(%dma_wait3A_108 : memref<100000x128xf32, #tpu.memory_space<hbm>>) dst(%arg10 : memref<128x128xf32, #tpu.memory_space<vmem>>)
      %scan3A_109 = arith.constant 0 : i32
      %scan3A_110 = arith.constant 0 : i32
      %scan3A_111 = arith.constant 128 : i32
      %scan3A_112 = arith.addi %scan3A_110, %scan3A_111 : i32
      %scan3A_113 = arith.constant 1 : i32
      scf.for %scan3A_122 = %scan3A_110 to %scan3A_112 step %scan3A_113  : i32 {
        %get3A = arith.index_cast %scan3A_122 : i32 to index
        %get3A_123 = arith.constant 0 : index
        %get3A_124 = tpu.vector_load %arg10[%get3A, %get3A_123] {strides = array<i32>} : memref<128x128xf32, #tpu.memory_space<vmem>>, vector<1x16xf32>,
        %get3A_125 = vector.shape_cast %get3A_124 : vector<1x16xf32> to vector<16xf32>
        %swap3A = arith.index_cast %scan3A_122 : i32 to index
        %swap3A_126 = arith.constant 128 : index
        %swap3A_127 = tpu.vector_load %arg8[%swap3A, %swap3A_126] {strides = array<i32>} : memref<128x192xf32, #tpu.memory_space<vmem>>, vector<1x16xf32>,
        %swap3A_128 = vector.shape_cast %swap3A_127 : vector<1x16xf32> to vector<16xf32>
        %swap3A_129 = vector.shape_cast %get3A_125 : vector<16xf32> to vector<1x16xf32>
        tpu.vector_store %arg8[%swap3A, %swap3A_126], %swap3A_129 {strides = array<i32>} : memref<128x192xf32, #tpu.memory_space<vmem>>, vector<1x16xf32>,
        %get3A_130 = arith.index_cast %scan3A_122 : i32 to index
        %get3A_131 = arith.constant 16 : index
        %get3A_132 = tpu.vector_load %arg10[%get3A_130, %get3A_131] {strides = array<i32>} : memref<128x128xf32, #tpu.memory_space<vmem>>, vector<1x16xf32>,
        %get3A_133 = vector.shape_cast %get3A_132 : vector<1x16xf32> to vector<16xf32>
        %swap3A_134 = arith.index_cast %scan3A_122 : i32 to index
        %swap3A_135 = arith.constant 144 : index
        %swap3A_136 = tpu.vector_load %arg8[%swap3A_134, %swap3A_135] {strides = array<i32>} : memref<128x192xf32, #tpu.memory_space<vmem>>, vector<1x16xf32>,
        %swap3A_137 = vector.shape_cast %swap3A_136 : vector<1x16xf32> to vector<16xf32>
        %swap3A_138 = vector.shape_cast %get3A_133 : vector<16xf32> to vector<1x16xf32>
        tpu.vector_store %arg8[%swap3A_134, %swap3A_135], %swap3A_138 {strides = array<i32>} : memref<128x192xf32, #tpu.memory_space<vmem>>, vector<1x16xf32>,
        %get3A_139 = arith.index_cast %scan3A_122 : i32 to index
        %get3A_140 = arith.constant 32 : index
        %get3A_141 = tpu.vector_load %arg10[%get3A_139, %get3A_140] {strides = array<i32>} : memref<128x128xf32, #tpu.memory_space<vmem>>, vector<1x16xf32>,
        %get3A_142 = vector.shape_cast %get3A_141 : vector<1x16xf32> to vector<16xf32>
        %swap3A_143 = arith.index_cast %scan3A_122 : i32 to index
        %swap3A_144 = arith.constant 160 : index
        %swap3A_145 = tpu.vector_load %arg8[%swap3A_143, %swap3A_144] {strides = array<i32>} : memref<128x192xf32, #tpu.memory_space<vmem>>, vector<1x16xf32>,
        %swap3A_146 = vector.shape_cast %swap3A_145 : vector<1x16xf32> to vector<16xf32>
        %swap3A_147 = vector.shape_cast %get3A_142 : vector<16xf32> to vector<1x16xf32>
        tpu.vector_store %arg8[%swap3A_143, %swap3A_144], %swap3A_147 {strides = array<i32>} : memref<128x192xf32, #tpu.memory_space<vmem>>, vector<1x16xf32>,
        %get3A_148 = arith.index_cast %scan3A_122 : i32 to index
        %get3A_149 = arith.constant 48 : index
        %get3A_150 = tpu.vector_load %arg10[%get3A_148, %get3A_149] {strides = array<i32>} : memref<128x128xf32, #tpu.memory_space<vmem>>, vector<1x16xf32>,
        %get3A_151 = vector.shape_cast %get3A_150 : vector<1x16xf32> to vector<16xf32>
        %swap3A_152 = arith.index_cast %scan3A_122 : i32 to index
        %swap3A_153 = arith.constant 176 : index
        %swap3A_154 = tpu.vector_load %arg8[%swap3A_152, %swap3A_153] {strides = array<i32>} : memref<128x192xf32, #tpu.memory_space<vmem>>, vector<1x16xf32>,
        %swap3A_155 = vector.shape_cast %swap3A_154 : vector<1x16xf32> to vector<16xf32>
        %swap3A_156 = vector.shape_cast %get3A_151 : vector<16xf32> to vector<1x16xf32>
        tpu.vector_store %arg8[%swap3A_152, %swap3A_153], %swap3A_156 {strides = array<i32>} : memref<128x192xf32, #tpu.memory_space<vmem>>, vector<1x16xf32>,
      }
      %scan3A_114 = arith.constant 128 : i32
      %mul3A_115 = arith.constant 128 : i32
      %mul3A_116 = arith.muli %add3A_78, %mul3A_115 : i32
      %add3A_117 = arith.addi %mul3A_2, %mul3A_116 : i32
      %dma_start3A_118 = arith.constant 0 : i32
      %dma_start3A_119 = tpu.memref_slice %arg5[%add3A_117, %dma_start3A_118] : memref<819200x192xf32, #tpu.memory_space<hbm>> -> memref<128x192xf32, #tpu.memory_space<hbm>>
      %dma_start3A_120 = arith.constant 0 : i32
      %dma_start3A_121 = tpu.memref_slice %arg5[%add3A_117, %dma_start3A_120] : memref<819200x192xf32, #tpu.memory_space<hbm>> -> memref<128x192xf32, #tpu.memory_space<hbm>>
      tpu.enqueue_dma source(%arg8 : memref<128x192xf32, #tpu.memory_space<vmem>>) target(%dma_start3A_121 : memref<128x192xf32, #tpu.memory_space<hbm>>) target_semaphore(%arg16 : memref<!tpu.dma_semaphore, #tpu.memory_space<semaphore_mem>>)
    }
    %scan3A_25 = arith.constant 100 : i32
    %add3A_26 = arith.constant 25472 : i32
    %add3A_27 = arith.addi %mul3A_2, %add3A_26 : i32
    %dma_wait3A = arith.constant 0 : i32
    %dma_wait3A_28 = tpu.memref_slice %arg5[%add3A_27, %dma_wait3A] : memref<819200x192xf32, #tpu.memory_space<hbm>> -> memref<128x192xf32, #tpu.memory_space<hbm>>
    %dma_wait3A_29 = arith.constant 0 : i32
    %dma_wait3A_30 = tpu.memref_slice %arg5[%add3A_27, %dma_wait3A_29] : memref<819200x192xf32, #tpu.memory_space<hbm>> -> memref<128x192xf32, #tpu.memory_space<hbm>>
    tpu.wait_dma2 semaphore(%arg16 : memref<!tpu.dma_semaphore, #tpu.memory_space<semaphore_mem>>) src(%arg8 : memref<128x192xf32, #tpu.memory_space<vmem>>) dst(%dma_wait3A_30 : memref<128x192xf32, #tpu.memory_space<hbm>>)
    return
  }
}

</mosaic_0001>

<sc_bundles>
// kernel: kernel.3.cloned.1.call-start
scs
__scs_entry_jumppad:
0x0: {  	(pc) =	sbr.rel $0x88, $3  }
0x1: {  	(tag) =	ssettag $0x0;
	lr =	simm.s32 $0x1  }
0x2: {  	[smem:$0x3F9E] =	sst lr;
	_ =	strace $0xD0000000  }
0x3: {  	_ = 	snop  }
0x4: {  	_ = 	snop  }
0x5: {  	_ = 	snop  }
0x6: {  	_ = 	snop  }
0x7: {  	_ = 	snop  }
__scs_overlays_trampoline_lowered:
0x8: {  	[smem:$0x3FAD] =	sst s0  }
0x9: {  	[smem:$0x3FAE] =	sst s1  }
0xa: {  	[smem:$0x3FAF] =	sst s2  }
0xb: {  	[smem:$0x3FB0] =	sst s3  }
0xc: {  	[smem:$0x3FB1] =	sst s4  }
0xd: {  	[smem:$0x3FB2] =	sst s5  }
0xe: {  	[smem:$0x3FB3] =	sst s6  }
0xf: {  	[smem:$0x3FB4] =	sst s7  }
0x10: {  	[smem:$0x3FB5] =	sst s8  }
0x11: {  	[smem:$0x3FB6] =	sst s9;
	s0 =	simm.s32 @!p0 $0x0  }
0x12: {  	s1 =	sld [smem:$0x3F9C];
	s0 =	simm.s32 @p0 $0x1  }
0x13: {  	[smem:$0x3FB7] =	sst s0;
	s0 =	simm.s32 @!p1 $0x0  }
0x14: {  	s2 =	sld [smem:$0x3F9B];
	s0 =	simm.s32 @p1 $0x1  }
0x15: {  	[smem:$0x3FB8] =	sst s0;
	s0 =	simm.s32 @!p2 $0x0  }
0x16: {  	s3 =	sld [smem:$0x3FDB];
	s0 =	simm.s32 @p2 $0x1  }
0x17: {  	s4 =	simm.s32 $0x1BF5;
	[smem:$0x3FBA] =	sst s0  }
0x18: {  	s0 =	sld [smem:$0x3F9D];
	_ =	swait.ge [sflag:s4], $0x0  }
0x19: {  	s7 =	sld [smem:$0x3F9E]  }
0x1a: {  	s8 =	sadd.s32 $0xFFFFE003, lr  }
0x1b: {  	s9 =	sadd.s32 $0xFFFFFEF7, lr;
	s5 =	simm.s32 $0xFFFFFFFF;
	p2 =	slt.u32 s8, $0xFFFFF086  }
0x1c: {  	p1 =	slt.u32 s9, $0xF7A;
	s5 =	simm.s32 @!p2 $0x0  }
0x1d: {  	s5 =	simm.s32 @p1 $0x1;
	p0 =	seq.s32 s7, s2  }
0x1e: {  	s7 =	smul.u32 @!p0 $0xF7A, s2;
	p2 =	seq.s32 @!p0 s5, $0x0  }
0x1f: {  	s9 =	smul.u32 $0xF7A, s1;
	s8 =	simm.s32 @!p0 $0x1BF5;
	p2 =	por !p2, p0  }
0x20: {  	[sflag:s8] =	ssyncset.s32 @!p0 $0xFFFFF086;
	s6 =	sadd.s32 @!p0 s3, s7;
	s7 =	simm.s32 @!p0 $0x108  }
0x21: {  	s3 =	sadd.s32 s3, s9;
	s6 =	sadd.s32 @!p0 $0x88, s6;
	s7 =	simm.s32 @p2 $0x1082  }
0x22: {  	[simem:s7], [sflag:s8] =	dma.local @!p0 [hbm:s6], $0xF7A  }
0x23: {  	s9 =	sor.u32 $0xD0000000, s2;
	s6 =	simm.s32 $0x108;
	_ =	swait.ge @!p0 [sflag:s8], $0x0  }
0x24: {  	s3 =	sadd.s32 $0x88, s3;
	s6 =	simm.s32 @!p1 $0x1082;
	[sflag:s4] =	ssyncset.s32 $0xFFFFF086  }
0x25: {  	[simem:s6], [sflag:s4] =	dma.local [hbm:s3], $0xF7A  }
0x26: {  	[smem:$0x3F9E] =	sst s1;
	(tag) =	ssettag s2;
	_ =	strace s9  }
0x27: {  	s1 =	sld [smem:$0x3FAE]  }
0x28: {  	s2 =	sld [smem:$0x3FAF]  }
0x29: {  	s4 =	sld [smem:$0x3FB1]  }
0x2a: {  	p0 =	seq.s32 s5, $0x0;
	s5 =	sld [smem:$0x3FB2]  }
0x2b: {  	s6 =	sld [smem:$0x3FB3]  }
0x2c: {  	s7 =	sld [smem:$0x3FB4]  }
0x2d: {  	s3 =	simm.s32 $0x108;
	s8 =	sld [smem:$0x3FB5]  }
0x2e: {  	s3 =	simm.s32 @!p0 $0x1082;
	s9 =	sld [smem:$0x3FB6]  }
0x2f: {  	lr =	sadd.s32 s0, s3;
	s0 =	sld [smem:$0x3FAD]  }
0x30: {  	s3 =	sld [smem:$0x3FB0]  }
0x31: {  	[smem:$0x3FB9] =	sst s10  }
0x32: {  	s10 =	sld [smem:$0x3FB7];
	_ =	sdelay $0x3  }
0x33: {  	p0 =	seq.s32 s10, $0x1;
	s10 =	sld [smem:$0x3FB9];
	_ =	sdelay $0x3  }
0x34: {  	[smem:$0x3FB9] =	sst s10  }
0x35: {  	s10 =	sld [smem:$0x3FB8];
	_ =	sdelay $0x3  }
0x36: {  	p1 =	seq.s32 s10, $0x1;
	s10 =	sld [smem:$0x3FB9];
	_ =	sdelay $0x3  }
0x37: {  	[smem:$0x3FB9] =	sst s10  }
0x38: {  	s10 =	sld [smem:$0x3FBA]  }
0x39: {  	_ = 	snop;
	(pc) =	sbr.ind lr, $3  }
0x3a: {  	_ = 	snop  }
0x3b: {  	_ = 	snop  }
0x3c: {  	p2 =	seq.s32 s10, $0x1;
	s10 =	sld [smem:$0x3FB9]  }
0x3d: {  	_ =	shalt  }
0x3e: {  	_ =	shalt  }
0x3f: {  	_ =	shalt  }
0x40: {  	_ =	shalt  }
0x41: {  	_ =	shalt  }
0x42: {  	_ =	shalt  }
0x43: {  	_ =	shalt  }
0x44: {  	_ =	shalt  }
0x45: {  	_ =	shalt  }
0x46: {  	_ =	shalt  }
0x47: {  	_ =	shalt  }
0x48: {  	_ =	shalt  }
0x49: {  	_ =	shalt  }
0x4a: {  	_ =	shalt  }
0x4b: {  	_ =	shalt  }
0x4c: {  	_ =	shalt  }
0x4d: {  	_ =	shalt  }
0x4e: {  	_ =	shalt  }
0x4f: {  	_ =	shalt  }
0x50: {  	_ =	shalt  }
0x51: {  	_ =	shalt  }
0x52: {  	_ =	shalt  }
0x53: {  	_ =	shalt  }
0x54: {  	_ =	shalt  }
0x55: {  	_ =	shalt  }
0x56: {  	_ =	shalt  }
0x57: {  	_ =	shalt  }
0x58: {  	_ =	shalt  }
0x59: {  	_ =	shalt  }
0x5a: {  	_ =	shalt  }
0x5b: {  	_ =	shalt  }
0x5c: {  	_ =	shalt  }
0x5d: {  	_ =	shalt  }
0x5e: {  	_ =	shalt  }
0x5f: {  	_ =	shalt  }
0x60: {  	_ =	shalt  }
0x61: {  	_ =	shalt  }
0x62: {  	_ =	shalt  }
0x63: {  	_ =	shalt  }
0x64: {  	_ =	shalt  }
0x65: {  	_ =	shalt  }
0x66: {  	_ =	shalt  }
0x67: {  	_ =	shalt  }
0x68: {  	_ =	shalt  }
0x69: {  	_ =	shalt  }
0x6a: {  	_ =	shalt  }
0x6b: {  	_ =	shalt  }
0x6c: {  	_ =	shalt  }
0x6d: {  	_ =	shalt  }
0x6e: {  	_ =	shalt  }
0x6f: {  	_ =	shalt  }
0x70: {  	_ =	shalt  }
0x71: {  	_ =	shalt  }
0x72: {  	_ =	shalt  }
0x73: {  	_ =	shalt  }
0x74: {  	_ =	shalt  }
0x75: {  	_ =	shalt  }
0x76: {  	_ =	shalt  }
0x77: {  	_ =	shalt  }
0x78: {  	_ =	shalt  }
0x79: {  	_ =	shalt  }
0x7a: {  	_ =	shalt  }
0x7b: {  	_ =	shalt  }
0x7c: {  	_ =	shalt  }
0x7d: {  	_ =	shalt  }
0x7e: {  	_ =	shalt  }
0x7f: {  	_ =	shalt  }
0x80: {  	_ =	shalt  }
0x81: {  	_ =	shalt  }
0x82: {  	_ =	shalt  }
0x83: {  	_ =	shalt  }
0x84: {  	_ =	shalt  }
0x85: {  	_ =	shalt  }
0x86: {  	_ =	shalt  }
0x87: {  	_ =	shalt  }
.Lfunc_end0:
.L_simem_size_0:
called_computation.1_lowered:
.L_overlay_start_0:
0x88: {  	s2 =	sld [smem:$0x3FD9]  }
0x89: {  	s3 =	sld [smem:$0x3FFE];
	_ =	sdelay $0x1  }
0x8a: {  	s1 =	srdreg.scid  }
0x8b: {  	s0 =	sand.u32 $0x1, s1  }
0x8c: {  	s17 =	sshll.u32 s0, $0xA;
	s2 =	sadd.s32 s3, s2  }
0x8d: {  	s2 =	sadd.s32 s2, s17  }
0x8e: {  	[smem:$0x3FC5] =	sst s2  }
0x8f: {  	_ = 	snop  }
0x90: {  	s2 =	sld [smem:$0x3FC8];
	(tm) =	ssettm $0x1  }
0x91: {  	s18 =	sld [smem:$0x3FFB];
	_ =	sdelay $0x3  }
0x92: {  	_ =	strace s18  }
0x93: {  	s3 =	sld [smem:$0x3FFC];
	_ =	sdelay $0x3  }
0x94: {  	_ =	strace s3  }
0x95: {  	s3 =	sld [smem:$0x3FFD];
	_ =	sdelay $0x3  }
0x96: {  	_ =	strace s3  }
0x97: {  	_ =	strace $0x8FFFFFFF  }
0x98: {  	s19 =	sld [smem:$0x3FDB];
	_ =	sdelay $0x1  }
0x99: {  	s4 =	simm.s32 $_scs_section_size  }
0x9a: {  	s5 =	simm.s32 $_size__tile_overlayer_lowered;
	s6 =	simm.s32 $_tile_overlayer_lowered  }
0x9b: {  	s22 =	simm.s32 $0x1BFF;
	s21 =	sshll.u32 s6, $0x1;
	s3 =	sadd.s32 s4, s19  }
0x9c: {  	s7 =	simm.s32 $0x0;
	s20 =	sshll.u32 s5, $0x1;
	s5 =	sadd.s32 s21, s3  }
0x9d: {  	[timem:s7], [sflag:s22] =	dma.local [hbm:s5], s20  }
0x9e: {  	_ =	swait.ge [sflag:s22], s20  }
0x9f: {  	s4 =	ssub.s32 $0x0, s20;
	[sflag:s22] =	ssyncset.done $0x0  }
0xa0: {  	[sflag:s22] =	ssyncadd.s32 s4;
	_ =	sdelay $0x1  }
0xa1: {  	s23 =	simm.s32 $0x1B8B  }
0xa2: {  	_ =	swait.ge [sflag:s23], $0x1  }
0xa3: {  	[sflag:s23] =	ssyncset.done $0x0  }
0xa4: {  	s25 =	simm.s32 $0x1B8E;
	s24 =	sld [smem:$0x3FFE];
	[sflag:s23] =	ssyncadd.s32 $0xFFFFFFFF  }
0xa5: {  	s26 =	simm.s32 $execute0_lowered;
	[smem:$0x3FD2] =	sst s25  }
0xa6: {  	s5 =	sshll.u32 s26, $0x1;
	_ =	strace $0x80000046;
	[dreg:$0x1] =	wrdreg $0xFFFFFFFF  }
0xa7: {  	s28 =	simm.s32 $_size_execute0_lowered;
	s3 =	sadd.s32 s3, s5;
	[dreg:$0x0] =	wrdreg $0x0  }
0xa8: {  	s5 =	sshll.u32 s28, $0x1;
	[dreg:$0x2] =	wrdreg s3  }
0xa9: {  	[dreg:$0x3] =	wrdreg s5  }
0xaa: {  	[dreg:$0x4] =	wrdreg $0xC0  }
0xab: {  	_ =	task [dreg:s7], $0x5FFFF  }
0xac: {  	[dreg:$0x1] =	wrdreg $0xFFFFFFFF  }
0xad: {  	[dreg:$0x0] =	wrdreg $0x60  }
0xae: {  	[dreg:$0x2] =	wrdreg s24  }
0xaf: {  	[dreg:$0x3] =	wrdreg s2  }
0xb0: {  	[dreg:$0x4] =	wrdreg $0x9  }
0xb1: {  	_ =	task.clear_ibuf [dreg:s7], $0x5FFFF;
	_ =	strace $0x90000046  }
0xb2: {  	s29 =	simm.s32 $0x9;
	_ =	strace $0x80000048  }
0xb3: {  	_ =	swait.ge [sflag:s29], $0x1  }
0xb4: {  	[sflag:s29] =	ssyncadd.s32 $0xFFFFFFFF  }
0xb5: {  	_ =	strace $0x90000048  }
0xb6: {  	_ =	sfence  }
0xb7: {  	s30 =	sld [smem:$0x0];
	_ =	sdelay $0x2  }
0xb8: {  	s31 =	sshll.u32 s1, $0xD;
	s1 =	sshrl.u32 s1, $0x2  }
0xb9: {  	s3 =	sand.u32 $0x4000, s31;
	s1 =	sadd.s32 s1, s30  }
0xba: {  	s0 =	sor.u32 s3, s0;
	s1 =	sshll.u32 s1, $0x11  }
0xbb: {  	s0 =	sor.u32 s1, s0  }
0xbc: {  	s0 =	sadd.s32 $0x8F2B, s0  }
0xbd: {  	[sflag:s0] =	ssyncadd.remote.s32 $0x1  }
0xbe: {  	_ =	sfence.sel $0xFFFF  }
0xbf: {  	[dreg:$0x0] =	wrdreg $0xFFFFFFFF;
	(pc) =	sbr.abs _section_cstart, $3  }
0xc0: {  	[dreg:$0x1] =	wrdreg $0xFFFFFFFF  }
0xc1: {  	_ =	task.clear_ibuf [dreg:s7], $0x2FFFF;
	_ =	strace $0x9FFFFFFF  }
0xc2: {  	(tm) =	ssettm $0x7FFFFFFF  }
0xc3: {  	_ =	shalt  }
tec
execute0_lowered:
.L_overlay_start_1:
0x0: {  	(tag) =	ssettag $0x1  }
0x1: {  	s0 =	rddreg [dreg:$0x0];
	s1 =	srdreg.scid  }
0x2: {  	s3 =	stileid.u32;
	s2 =	rddreg [dreg:$0x1]  }
0x3: {  	s10 =	simm.s32 $0x80;
	s12 =	simm.s32 $0x6400;
	s30 =	simm.s32 $0xE400  }
0x4: {  	s11 =	simm.s32 $0x11C00;
	s13 =	simm.s32 $0x12400;
	s14 =	simm.s32 $0x12C00  }
0x5: {  	s15 =	simm.s32 $0x13400;
	s16 =	simm.s32 $0x13C00;
	s17 =	simm.s32 $0x14400  }
0x6: {  	s18 =	simm.s32 $0x14C00;
	s19 =	simm.s32 $0x15400;
	s20 =	simm.s32 $0x15C00  }
0x7: {  	s21 =	simm.s32 $0x1;
	s22 =	simm.s32 $0x3;
	s23 =	simm.s32 $0x5  }
0x8: {  	s24 =	simm.s32 $0x2;
	s1 =	sand.u32 $0x1, s1;
	s4 =	sshll.u32 s3, $0x1  }
0x9: {  	s25 =	simm.s32 $0x4;
	s6 =	sor.u32 s1, s4;
	s1 =	ssub.s32 $0x2, s1  }
0xa: {  	s3 =	simm.s32 $0x0;
	s4 =	smul.u32 $0xC80, s6;
	s8 =	sshrl.u32 s1, $0x1  }
0xb: {  	s5 =	sadd.s32 $0x1A0200, s0;
	[smem:$0x7FF] =	sst s3;
	s29 =	ssub.s32 s1, s8  }
0xc: {  	v2 =	vlaneseq.u32;
	s7 =	sadd.s32 s4, s0;
	s4 =	sadd.s32 $0x19800, s0;
	s0 =	smax.u32 s29, $0x1  }
0xd: {  	vm0 =	vmmov $0xff;
	v1 =	vshrl.u32 v2, $0x3;
	_ =	strace $0x80000047;
	s31 =	sadd.s32 $0x800, s7;
	[dreg:$0x4] =	wrdreg s0  }
0xe: {  	v0 =	vand.u32 $0x7, v2;
	v2 =	vor.u32 $0x8, v2;
	v1 =	vmul.u32 $0x8, v1;
	s7 =	smul.u32 $0x640000, s6;
	s6 =	simm.s32 $0x0;
	[dreg:$0x3] =	wrdreg s31  }
.LBB2_1:
0xf: {  	[dreg:$0x5] =	wrdreg s6  }
0x10: {  	s0 =	rddreg [dreg:$0x3];
	s31 =	simm.s32 $0x7  }
0x11: {  	[tilespmem:s3], [sflag:$0x7] =	stream.linear.gather [hbm4b:s0+s3], $0x6400, $0x38;
	[tilespmem:$0x1E400] =	vst v63  }
0x12: {  	_ =	swait.ge [sflag:s31], $0x6400  }
0x13: {  	[sflag:s31] =	ssyncset.done $0x0  }
0x14: {  	s1 =	simm.s32 $0x16400;
	[sflag:s31] =	ssyncadd.s32 $0xFFFF9C00  }
0x15: {  	[tilespmem:s1], [sflag:$0x3] =	stream.indirect.gather [hbm4b:s4+s10], $0x80, s3, s10, $0xb8;
	[tilespmem:$0x1E400] =	vst v63  }
0x16: {  	v3 =	vld [tilespmem:$0x0];
	_ =	sdelay $0x4  }
0x17: {  	v4 =	vperm.xlane v3, v0;
	_ =	sdelay $0x1  }
0x18: {  	v3 =	vperm.xlane v3, v2;
	v4 =	vadd.s32 v1, v4;
	_ =	sdelay $0x1  }
0x19: {  	v3 =	vadd.s32 v1, v3;
	_ =	sdelay $0x2  }
0x1a: {  	[tilespmem:s12], [sflag:$0x1] =	stream.indirect_vreg.gather [hbm4b:s2+s3], $0x80, v4, vm0, $0xb8;
	[tilespmem:$0x1E400] =	vst v63  }
0x1b: {  	s6 =	simm.s32 $0x6C00  }
0x1c: {  	[tilespmem:s6], [sflag:$0x1] =	stream.indirect_vreg.gather [hbm4b:s2+s3], $0x80, v3, vm0, $0xb8;
	[tilespmem:$0x1E400] =	vst v63  }
0x1d: {  	v3 =	vld [tilespmem:$0x10];
	_ =	sdelay $0x4  }
0x1e: {  	v57 =	vperm.xlane v3, v0;
	_ =	sdelay $0x1  }
0x1f: {  	v3 =	vperm.xlane v3, v2;
	v4 =	vadd.s32 v1, v57;
	_ =	sdelay $0x1  }
0x20: {  	v3 =	vadd.s32 v1, v3;
	_ =	sdelay $0x1  }
0x21: {  	s8 =	simm.s32 $0x7400  }
0x22: {  	[tilespmem:s8], [sflag:$0x1] =	stream.indirect_vreg.gather [hbm4b:s2+s3], $0x80, v4, vm0, $0xb8;
	[tilespmem:$0x1E400] =	vst v63  }
0x23: {  	s9 =	simm.s32 $0x7C00  }
0x24: {  	[tilespmem:s9], [sflag:$0x1] =	stream.indirect_vreg.gather [hbm4b:s2+s3], $0x80, v3, vm0, $0xb8;
	[tilespmem:$0x1E400] =	vst v63  }
0x25: {  	v3 =	vld [tilespmem:$0x20];
	_ =	sdelay $0x4  }
0x26: {  	v58 =	vperm.xlane v3, v0;
	_ =	sdelay $0x1  }
0x27: {  	v3 =	vperm.xlane v3, v2;
	v4 =	vadd.s32 v1, v58;
	_ =	sdelay $0x1  }
0x28: {  	v3 =	vadd.s32 v1, v3;
	_ =	sdelay $0x1  }
0x29: {  	s26 =	simm.s32 $0x8400  }
0x2a: {  	[tilespmem:s26], [sflag:$0x1] =	stream.indirect_vreg.gather [hbm4b:s2+s3], $0x80, v4, vm0, $0xb8;
	[tilespmem:$0x1E400] =	vst v63  }
0x2b: {  	s28 =	simm.s32 $0x8C00  }
0x2c: {  	[tilespmem:s28], [sflag:$0x1] =	stream.indirect_vreg.gather [hbm4b:s2+s3], $0x80, v3, vm0, $0xb8;
	[tilespmem:$0x1E400] =	vst v63  }
0x2d: {  	v3 =	vld [tilespmem:$0x30];
	_ =	sdelay $0x4  }
0x2e: {  	v59 =	vperm.xlane v3, v0;
	_ =	sdelay $0x1  }
0x2f: {  	v3 =	vperm.xlane v3, v2;
	v4 =	vadd.s32 v1, v59;
	_ =	sdelay $0x1  }
0x30: {  	v3 =	vadd.s32 v1, v3;
	_ =	sdelay $0x1  }
0x31: {  	s29 =	simm.s32 $0x9400  }
0x32: {  	[tilespmem:s29], [sflag:$0x1] =	stream.indirect_vreg.gather [hbm4b:s2+s3], $0x80, v4, vm0, $0xb8;
	[tilespmem:$0x1E400] =	vst v63  }
0x33: {  	s31 =	simm.s32 $0x9C00  }
0x34: {  	[tilespmem:s31], [sflag:$0x1] =	stream.indirect_vreg.gather [hbm4b:s2+s3], $0x80, v3, vm0, $0xb8;
	[tilespmem:$0x1E400] =	vst v63  }
0x35: {  	v3 =	vld [tilespmem:$0x40];
	_ =	sdelay $0x4  }
0x36: {  	v60 =	vperm.xlane v3, v0;
	_ =	sdelay $0x1  }
0x37: {  	v3 =	vperm.xlane v3, v2;
	v4 =	vadd.s32 v1, v60;
	_ =	sdelay $0x1  }
0x38: {  	v3 =	vadd.s32 v1, v3;
	_ =	sdelay $0x1  }
0x39: {  	s1 =	simm.s32 $0xA400  }
0x3a: {  	[tilespmem:s1], [sflag:$0x1] =	stream.indirect_vreg.gather [hbm4b:s2+s3], $0x80, v4, vm0, $0xb8;
	[tilespmem:$0x1E400] =	vst v63  }
0x3b: {  	s6 =	simm.s32 $0xAC00  }
0x3c: {  	[tilespmem:s6], [sflag:$0x1] =	stream.indirect_vreg.gather [hbm4b:s2+s3], $0x80, v3, vm0, $0xb8;
	[tilespmem:$0x1E400] =	vst v63  }
0x3d: {  	v3 =	vld [tilespmem:$0x50];
	_ =	sdelay $0x4  }
0x3e: {  	v61 =	vperm.xlane v3, v0;
	_ =	sdelay $0x1  }
0x3f: {  	v3 =	vperm.xlane v3, v2;
	v4 =	vadd.s32 v1, v61;
	_ =	sdelay $0x1  }
0x40: {  	v3 =	vadd.s32 v1, v3;
	_ =	sdelay $0x1  }
0x41: {  	s8 =	simm.s32 $0xB400  }
0x42: {  	[tilespmem:s8], [sflag:$0x1] =	stream.indirect_vreg.gather [hbm4b:s2+s3], $0x80, v4, vm0, $0xb8;
	[tilespmem:$0x1E400] =	vst v63  }
0x43: {  	s9 =	simm.s32 $0xBC00  }
0x44: {  	[tilespmem:s9], [sflag:$0x1] =	stream.indirect_vreg.gather [hbm4b:s2+s3], $0x80, v3, vm0, $0xb8;
	[tilespmem:$0x1E400] =	vst v63  }
0x45: {  	v3 =	vld [tilespmem:$0x60];
	_ =	sdelay $0x4  }
0x46: {  	v62 =	vperm.xlane v3, v0;
	_ =	sdelay $0x1  }
0x47: {  	v3 =	vperm.xlane v3, v2;
	v4 =	vadd.s32 v1, v62;
	_ =	sdelay $0x1  }
0x48: {  	v3 =	vadd.s32 v1, v3;
	_ =	sdelay $0x1  }
0x49: {  	s26 =	simm.s32 $0xC400  }
0x4a: {  	[tilespmem:s26], [sflag:$0x1] =	stream.indirect_vreg.gather [hbm4b:s2+s3], $0x80, v4, vm0, $0xb8;
	[tilespmem:$0x1E400] =	vst v63  }
0x4b: {  	s28 =	simm.s32 $0xCC00  }
0x4c: {  	[tilespmem:s28], [sflag:$0x1] =	stream.indirect_vreg.gather [hbm4b:s2+s3], $0x80, v3, vm0, $0xb8;
	[tilespmem:$0x1E400] =	vst v63  }
0x4d: {  	v3 =	vld [tilespmem:$0x70];
	_ =	sdelay $0x4  }
0x4e: {  	v63 =	vperm.xlane v3, v0;
	_ =	sdelay $0x1  }
0x4f: {  	v3 =	vperm.xlane v3, v2;
	v4 =	vadd.s32 v1, v63;
	_ =	sdelay $0x1  }
0x50: {  	v3 =	vadd.s32 v1, v3;
	_ =	sdelay $0x1  }
0x51: {  	s29 =	simm.s32 $0xD400  }
0x52: {  	[tilespmem:s29], [sflag:$0x1] =	stream.indirect_vreg.gather [hbm4b:s2+s3], $0x80, v4, vm0, $0xb8;
	[tilespmem:$0x1E400] =	vst v63  }
0x53: {  	s31 =	simm.s32 $0xDC00;
	s26 =	simm.s32 $0x0  }
0x54: {  	[tilespmem:s31], [sflag:$0x1] =	stream.indirect_vreg.gather [hbm4b:s2+s3], $0x80, v3, vm0, $0xb8;
	[tilespmem:$0x1E400] =	vst v63  }
.LBB2_2:
0x55: {  	s0 =	sshll.u32 s26, $0x8  }
0x56: {  	s28 =	sand.u32 $0x3FFFFF00, s0  }
0x57: {  	s1 =	simm.s32 $0x1A400;
	p0 =	seq.s32 s26, $0x0;
	s0 =	sor.u32 $0x80, s28  }
0x58: {  	[tilespmem:s1], [sflag:$0x4] =	stream.indirect.gather [hbm4b:s4+s10], $0x80, s0, s10, $0xb8;
	[tilespmem:$0x1E400] =	vst v63  }
0x59: {  	s0 =	simm.s32 @!p0 $0x6  }
0x5a: {  	_ =	swait.ge @!p0 [sflag:s0], $0x8000  }
0x5b: {  	[sflag:s0] =	ssyncset.done @!p0 $0x0  }
0x5c: {  	[sflag:s0] =	ssyncadd.s32 @!p0 $0xFFFF8000  }
0x5d: {  	v3 =	vld [tilespmem:s28+$0x80];
	_ =	sdelay $0x4  }
0x5e: {  	v4 =	vperm.xlane v3, v0;
	_ =	sdelay $0x1  }
0x5f: {  	v3 =	vperm.xlane v3, v2;
	v4 =	vadd.s32 v1, v4;
	_ =	sdelay $0x1  }
0x60: {  	v3 =	vadd.s32 v1, v3;
	_ =	sdelay $0x1  }
0x61: {  	s29 =	simm.s32 $0x0  }
0x62: {  	[tilespmem:s30], [sflag:$0x2] =	stream.indirect_vreg.gather [hbm4b:s2+s29], $0x80, v4, vm0, $0xb8;
	[tilespmem:$0x1E400] =	vst v63  }
0x63: {  	s1 =	simm.s32 $0xEC00  }
0x64: {  	[tilespmem:s1], [sflag:$0x2] =	stream.indirect_vreg.gather [hbm4b:s2+s29], $0x80, v3, vm0, $0xb8;
	[tilespmem:$0x1E400] =	vst v63  }
0x65: {  	v3 =	vld [tilespmem:s28+$0x90];
	_ =	sdelay $0x4  }
0x66: {  	v4 =	vperm.xlane v3, v0;
	_ =	sdelay $0x1  }
0x67: {  	v3 =	vperm.xlane v3, v2;
	v4 =	vadd.s32 v1, v4;
	_ =	sdelay $0x1  }
0x68: {  	v3 =	vadd.s32 v1, v3;
	_ =	sdelay $0x1  }
0x69: {  	s6 =	simm.s32 $0xF400  }
0x6a: {  	[tilespmem:s6], [sflag:$0x2] =	stream.indirect_vreg.gather [hbm4b:s2+s29], $0x80, v4, vm0, $0xb8;
	[tilespmem:$0x1E400] =	vst v63  }
0x6b: {  	s8 =	simm.s32 $0xFC00  }
0x6c: {  	[tilespmem:s8], [sflag:$0x2] =	stream.indirect_vreg.gather [hbm4b:s2+s29], $0x80, v3, vm0, $0xb8;
	[tilespmem:$0x1E400] =	vst v63  }
0x6d: {  	v3 =	vld [tilespmem:s28+$0xA0];
	_ =	sdelay $0x4  }
0x6e: {  	v4 =	vperm.xlane v3, v0;
	_ =	sdelay $0x1  }
0x6f: {  	v3 =	vperm.xlane v3, v2;
	v4 =	vadd.s32 v1, v4;
	_ =	sdelay $0x1  }
0x70: {  	v3 =	vadd.s32 v1, v3;
	_ =	sdelay $0x1  }
0x71: {  	s9 =	simm.s32 $0x10400  }
0x72: {  	[tilespmem:s9], [sflag:$0x2] =	stream.indirect_vreg.gather [hbm4b:s2+s29], $0x80, v4, vm0, $0xb8;
	[tilespmem:$0x1E400] =	vst v63  }
0x73: {  	s1 =	simm.s32 $0x10C00  }
0x74: {  	[tilespmem:s1], [sflag:$0x2] =	stream.indirect_vreg.gather [hbm4b:s2+s29], $0x80, v3, vm0, $0xb8;
	[tilespmem:$0x1E400] =	vst v63  }
0x75: {  	v3 =	vld [tilespmem:s28+$0xB0];
	_ =	sdelay $0x4  }
0x76: {  	v4 =	vperm.xlane v3, v0;
	_ =	sdelay $0x1  }
0x77: {  	v3 =	vperm.xlane v3, v2;
	v4 =	vadd.s32 v1, v4;
	_ =	sdelay $0x1  }
0x78: {  	v3 =	vadd.s32 v1, v3;
	_ =	sdelay $0x1  }
0x79: {  	s6 =	simm.s32 $0x11400  }
0x7a: {  	[tilespmem:s6], [sflag:$0x2] =	stream.indirect_vreg.gather [hbm4b:s2+s29], $0x80, v4, vm0, $0xb8;
	[tilespmem:$0x1E400] =	vst v63  }
0x7b: {  	_ = 	snop  }
0x7c: {  	[tilespmem:s11], [sflag:$0x2] =	stream.indirect_vreg.gather [hbm4b:s2+s29], $0x80, v3, vm0, $0xb8;
	[tilespmem:$0x1E400] =	vst v63  }
0x7d: {  	v3 =	vld [tilespmem:s28+$0xC0];
	_ =	sdelay $0x4  }
0x7e: {  	v4 =	vperm.xlane v3, v0;
	_ =	sdelay $0x1  }
0x7f: {  	v3 =	vperm.xlane v3, v2;
	v4 =	vadd.s32 v1, v4;
	_ =	sdelay $0x1  }
0x80: {  	v3 =	vadd.s32 v1, v3;
	_ =	sdelay $0x2  }
0x81: {  	[tilespmem:s13], [sflag:$0x2] =	stream.indirect_vreg.gather [hbm4b:s2+s29], $0x80, v4, vm0, $0xb8;
	[tilespmem:$0x1E400] =	vst v63  }
0x82: {  	_ = 	snop  }
0x83: {  	[tilespmem:s14], [sflag:$0x2] =	stream.indirect_vreg.gather [hbm4b:s2+s29], $0x80, v3, vm0, $0xb8;
	[tilespmem:$0x1E400] =	vst v63  }
0x84: {  	v3 =	vld [tilespmem:s28+$0xD0];
	_ =	sdelay $0x4  }
0x85: {  	v4 =	vperm.xlane v3, v0;
	_ =	sdelay $0x1  }
0x86: {  	v3 =	vperm.xlane v3, v2;
	v4 =	vadd.s32 v1, v4;
	_ =	sdelay $0x1  }
0x87: {  	v3 =	vadd.s32 v1, v3;
	_ =	sdelay $0x2  }
0x88: {  	[tilespmem:s15], [sflag:$0x2] =	stream.indirect_vreg.gather [hbm4b:s2+s29], $0x80, v4, vm0, $0xb8;
	[tilespmem:$0x1E400] =	vst v63  }
0x89: {  	_ = 	snop  }
0x8a: {  	[tilespmem:s16], [sflag:$0x2] =	stream.indirect_vreg.gather [hbm4b:s2+s29], $0x80, v3, vm0, $0xb8;
	[tilespmem:$0x1E400] =	vst v63  }
0x8b: {  	v3 =	vld [tilespmem:s28+$0xE0];
	_ =	sdelay $0x4  }
0x8c: {  	v4 =	vperm.xlane v3, v0;
	_ =	sdelay $0x1  }
0x8d: {  	v3 =	vperm.xlane v3, v2;
	v4 =	vadd.s32 v1, v4;
	_ =	sdelay $0x1  }
0x8e: {  	v3 =	vadd.s32 v1, v3;
	_ =	sdelay $0x2  }
0x8f: {  	[tilespmem:s17], [sflag:$0x2] =	stream.indirect_vreg.gather [hbm4b:s2+s29], $0x80, v4, vm0, $0xb8;
	[tilespmem:$0x1E400] =	vst v63  }
0x90: {  	_ = 	snop  }
0x91: {  	[tilespmem:s18], [sflag:$0x2] =	stream.indirect_vreg.gather [hbm4b:s2+s29], $0x80, v3, vm0, $0xb8;
	[tilespmem:$0x1E400] =	vst v63  }
0x92: {  	v3 =	vld [tilespmem:s28+$0xF0];
	_ =	sdelay $0x4  }
0x93: {  	v4 =	vperm.xlane v3, v0;
	_ =	sdelay $0x1  }
0x94: {  	v3 =	vperm.xlane v3, v2;
	v4 =	vadd.s32 v1, v4;
	_ =	sdelay $0x1  }
0x95: {  	v3 =	vadd.s32 v1, v3;
	_ =	sdelay $0x2  }
0x96: {  	[tilespmem:s19], [sflag:$0x2] =	stream.indirect_vreg.gather [hbm4b:s2+s29], $0x80, v4, vm0, $0xb8;
	[tilespmem:$0x1E400] =	vst v63  }
0x97: {  	_ = 	snop  }
0x98: {  	[tilespmem:s20], [sflag:$0x2] =	stream.indirect_vreg.gather [hbm4b:s2+s29], $0x80, v3, vm0, $0xb8;
	[tilespmem:$0x1E400] =	vst v63  }
0x99: {  	_ =	swait.ge [sflag:s21], $0x4000  }
0x9a: {  	[sflag:s21] =	ssyncset.done $0x0  }
0x9b: {  	[sflag:s21] =	ssyncadd.s32 $0xFFFFC000  }
0x9c: {  	_ =	swait.ge [sflag:s22], $0x4000  }
0x9d: {  	[sflag:s22] =	ssyncset.done $0x0  }
0x9e: {  	s8 =	simm.s32 $0x16420;
	[sflag:s22] =	ssyncadd.s32 $0xFFFFC000  }
0x9f: {  	v3 =	vld [tilespmem:s8+$0xFFFFFFE0];
	_ =	sdelay $0x2  }
0xa0: {  	s9 =	sand.u32 $0x7800, s29;
	s6 =	sand.u32 $0x380, s29  }
0xa1: {  	s1 =	sor.u32 s6, s9  }
0xa2: {  	[tilespmem:s1+$0x6800] =	vst v3  }
0xa3: {  	v3 =	vld [tilespmem:s8+$0xFFFFFFF0];
	_ =	sdelay $0x4  }
0xa4: {  	[tilespmem:s1+$0x6810] =	vst v3  }
0xa5: {  	v3 =	vld [tilespmem:s8+$0x0];
	_ =	sdelay $0x4  }
0xa6: {  	[tilespmem:s1+$0x6820] =	vst v3  }
0xa7: {  	v3 =	vld [tilespmem:s8+$0x10];
	_ =	sdelay $0x4  }
0xa8: {  	[tilespmem:s1+$0x6830] =	vst v3;
	s1 =	simm.s32 $0x164A0  }
0xa9: {  	s31 =	sshll.u32 s26, $0x1;
	s0 =	simm.s32 $0x80;
	s6 =	simm.s32 $0x100;
	v3 =	vld [tilespmem:s1+$0xFFFFFFE0]  }
.LBB2_3:
0xaa: {  	p0 =	sne.s32 s6, $0x3F80  }
0xab: {  	s29 =	sadd.s32 $0x100, s29  }
0xac: {  	s9 =	sand.u32 $0x380, s0;
	s0 =	smov.u32 s6;
	s8 =	sand.u32 $0x7800, s29  }
0xad: {  	s8 =	sor.u32 s9, s8  }
0xae: {  	[tilespmem:s8+$0x6800] =	vst v3  }
0xaf: {  	v3 =	vld [tilespmem:s1+$0xFFFFFFF0];
	_ =	sdelay $0x4  }
0xb0: {  	[tilespmem:s8+$0x6810] =	vst v3  }
0xb1: {  	v3 =	vld [tilespmem:s1+$0x0];
	_ =	sdelay $0x4  }
0xb2: {  	[tilespmem:s8+$0x6820] =	vst v3  }
0xb3: {  	v3 =	vld [tilespmem:s1+$0x10];
	_ =	sdelay $0x1  }
.Ltmp0:
0xb4: {  	(pc) =	sbr.rel @p0 .LBB2_3-.Ltmp0, $3  }
0xb5: {  	_ =	sdelay $0x1  }
0xb6: {  	s1 =	sadd.s32 $0x80, s1;
	[tilespmem:s8+$0x6830] =	vst v3  }
0xb7: {  	s6 =	sadd.s32 $0x80, s6;
	v3 =	vld [tilespmem:s1+$0xFFFFFFE0]  }
0xb8: {  	_ = 	snop  }
0xb9: {  	s6 =	sadd.s32 $0x100, s29  }
0xba: {  	s0 =	sand.u32 $0x380, s0;
	s6 =	sand.u32 $0x7800, s6  }
0xbb: {  	s0 =	sor.u32 s0, s6  }
0xbc: {  	[tilespmem:s0+$0x6800] =	vst v3  }
0xbd: {  	v3 =	vld [tilespmem:s1+$0xFFFFFFF0];
	_ =	sdelay $0x4  }
0xbe: {  	[tilespmem:s0+$0x6810] =	vst v3  }
0xbf: {  	v3 =	vld [tilespmem:s1+$0x0];
	_ =	sdelay $0x4  }
0xc0: {  	[tilespmem:s0+$0x6820] =	vst v3  }
0xc1: {  	s29 =	sor.u32 $0x1, s31;
	v3 =	vld [tilespmem:s1+$0x10]  }
0xc2: {  	p0 =	sgt.u32 s29, $0xC6  }
.Ltmp1:
0xc3: {  	s8 =	sshll.u32 s26, $0x10;
	(pc) =	sbr.rel @p0 .LBB2_6-.Ltmp1, $4  }
0xc4: {  	s1 =	sadd.s32 s7, s8  }
0xc5: {  	s1 =	sshrl.u32 s1, $0x3  }
0xc6: {  	s9 =	sadd.s32 s5, s1;
	[tilespmem:s0+$0x6830] =	vst v3  }
0xc7: {  	[hbm4b:s9+s3] =	stream.linear.scatter [tilespmem:s12], [sflag:$0x5], $0x8000, $0x38;
	[tilespmem:$0x1E400] =	vst v63  }
0xc8: {  	s0 =	sadd.s32 $0x100, s28;
	s1 =	simm.s32 $0x16400  }
0xc9: {  	[tilespmem:s1], [sflag:$0x3] =	stream.indirect.gather [hbm4b:s4+s10], $0x80, s0, s10, $0xb8;
	[tilespmem:$0x1E400] =	vst v63  }
0xca: {  	_ =	swait.ge [sflag:s23], $0x8000  }
0xcb: {  	[sflag:s23] =	ssyncset.done $0x0  }
0xcc: {  	[sflag:s23] =	ssyncadd.s32 $0xFFFF8000  }
0xcd: {  	v3 =	vld [tilespmem:s28+$0x100];
	_ =	sdelay $0x4  }
0xce: {  	v4 =	vperm.xlane v3, v0;
	_ =	sdelay $0x1  }
0xcf: {  	v3 =	vperm.xlane v3, v2;
	v4 =	vadd.s32 v1, v4;
	_ =	sdelay $0x1  }
0xd0: {  	v3 =	vadd.s32 v1, v3;
	_ =	sdelay $0x2  }
0xd1: {  	[tilespmem:s12], [sflag:$0x1] =	stream.indirect_vreg.gather [hbm4b:s2+s3], $0x80, v4, vm0, $0xb8;
	[tilespmem:$0x1E400] =	vst v63  }
0xd2: {  	s6 =	simm.s32 $0x6C00  }
0xd3: {  	[tilespmem:s6], [sflag:$0x1] =	stream.indirect_vreg.gather [hbm4b:s2+s3], $0x80, v3, vm0, $0xb8;
	[tilespmem:$0x1E400] =	vst v63  }
0xd4: {  	v3 =	vld [tilespmem:s28+$0x110];
	_ =	sdelay $0x4  }
0xd5: {  	v57 =	vperm.xlane v3, v0;
	_ =	sdelay $0x1  }
0xd6: {  	v3 =	vperm.xlane v3, v2;
	v4 =	vadd.s32 v1, v57;
	_ =	sdelay $0x1  }
0xd7: {  	v3 =	vadd.s32 v1, v3;
	_ =	sdelay $0x1  }
0xd8: {  	s8 =	simm.s32 $0x7400  }
0xd9: {  	[tilespmem:s8], [sflag:$0x1] =	stream.indirect_vreg.gather [hbm4b:s2+s3], $0x80, v4, vm0, $0xb8;
	[tilespmem:$0x1E400] =	vst v63  }
0xda: {  	s9 =	simm.s32 $0x7C00  }
0xdb: {  	[tilespmem:s9], [sflag:$0x1] =	stream.indirect_vreg.gather [hbm4b:s2+s3], $0x80, v3, vm0, $0xb8;
	[tilespmem:$0x1E400] =	vst v63  }
0xdc: {  	v3 =	vld [tilespmem:s28+$0x120];
	_ =	sdelay $0x4  }
0xdd: {  	v58 =	vperm.xlane v3, v0;
	_ =	sdelay $0x1  }
0xde: {  	v3 =	vperm.xlane v3, v2;
	v4 =	vadd.s32 v1, v58;
	_ =	sdelay $0x1  }
0xdf: {  	v3 =	vadd.s32 v1, v3;
	_ =	sdelay $0x1  }
0xe0: {  	s31 =	simm.s32 $0x8400  }
0xe1: {  	[tilespmem:s31], [sflag:$0x1] =	stream.indirect_vreg.gather [hbm4b:s2+s3], $0x80, v4, vm0, $0xb8;
	[tilespmem:$0x1E400] =	vst v63  }
0xe2: {  	s1 =	simm.s32 $0x8C00  }
0xe3: {  	[tilespmem:s1], [sflag:$0x1] =	stream.indirect_vreg.gather [hbm4b:s2+s3], $0x80, v3, vm0, $0xb8;
	[tilespmem:$0x1E400] =	vst v63  }
0xe4: {  	v3 =	vld [tilespmem:s28+$0x130];
	_ =	sdelay $0x4  }
0xe5: {  	v59 =	vperm.xlane v3, v0;
	_ =	sdelay $0x1  }
0xe6: {  	v3 =	vperm.xlane v3, v2;
	v4 =	vadd.s32 v1, v59;
	_ =	sdelay $0x1  }
0xe7: {  	v3 =	vadd.s32 v1, v3;
	_ =	sdelay $0x1  }
0xe8: {  	s6 =	simm.s32 $0x9400  }
0xe9: {  	[tilespmem:s6], [sflag:$0x1] =	stream.indirect_vreg.gather [hbm4b:s2+s3], $0x80, v4, vm0, $0xb8;
	[tilespmem:$0x1E400] =	vst v63  }
0xea: {  	s8 =	simm.s32 $0x9C00  }
0xeb: {  	[tilespmem:s8], [sflag:$0x1] =	stream.indirect_vreg.gather [hbm4b:s2+s3], $0x80, v3, vm0, $0xb8;
	[tilespmem:$0x1E400] =	vst v63  }
0xec: {  	v3 =	vld [tilespmem:s28+$0x140];
	_ =	sdelay $0x4  }
0xed: {  	v60 =	vperm.xlane v3, v0;
	_ =	sdelay $0x1  }
0xee: {  	v3 =	vperm.xlane v3, v2;
	v4 =	vadd.s32 v1, v60;
	_ =	sdelay $0x1  }
0xef: {  	v3 =	vadd.s32 v1, v3;
	_ =	sdelay $0x1  }
0xf0: {  	s9 =	simm.s32 $0xA400  }
0xf1: {  	[tilespmem:s9], [sflag:$0x1] =	stream.indirect_vreg.gather [hbm4b:s2+s3], $0x80, v4, vm0, $0xb8;
	[tilespmem:$0x1E400] =	vst v63  }
0xf2: {  	s31 =	simm.s32 $0xAC00  }
0xf3: {  	[tilespmem:s31], [sflag:$0x1] =	stream.indirect_vreg.gather [hbm4b:s2+s3], $0x80, v3, vm0, $0xb8;
	[tilespmem:$0x1E400] =	vst v63  }
0xf4: {  	v3 =	vld [tilespmem:s28+$0x150];
	_ =	sdelay $0x4  }
0xf5: {  	v61 =	vperm.xlane v3, v0;
	_ =	sdelay $0x1  }
0xf6: {  	v3 =	vperm.xlane v3, v2;
	v4 =	vadd.s32 v1, v61;
	_ =	sdelay $0x1  }
0xf7: {  	v3 =	vadd.s32 v1, v3;
	_ =	sdelay $0x1  }
0xf8: {  	s1 =	simm.s32 $0xB400  }
0xf9: {  	[tilespmem:s1], [sflag:$0x1] =	stream.indirect_vreg.gather [hbm4b:s2+s3], $0x80, v4, vm0, $0xb8;
	[tilespmem:$0x1E400] =	vst v63  }
0xfa: {  	s6 =	simm.s32 $0xBC00  }
0xfb: {  	[tilespmem:s6], [sflag:$0x1] =	stream.indirect_vreg.gather [hbm4b:s2+s3], $0x80, v3, vm0, $0xb8;
	[tilespmem:$0x1E400] =	vst v63  }
0xfc: {  	v3 =	vld [tilespmem:s28+$0x160];
	_ =	sdelay $0x4  }
0xfd: {  	v62 =	vperm.xlane v3, v0;
	_ =	sdelay $0x1  }
0xfe: {  	v3 =	vperm.xlane v3, v2;
	v4 =	vadd.s32 v1, v62;
	_ =	sdelay $0x1  }
0xff: {  	v3 =	vadd.s32 v1, v3;
	_ =	sdelay $0x1  }
0x100: {  	s8 =	simm.s32 $0xC400  }
0x101: {  	[tilespmem:s8], [sflag:$0x1] =	stream.indirect_vreg.gather [hbm4b:s2+s3], $0x80, v4, vm0, $0xb8;
	[tilespmem:$0x1E400] =	vst v63  }
0x102: {  	s9 =	simm.s32 $0xCC00  }
0x103: {  	[tilespmem:s9], [sflag:$0x1] =	stream.indirect_vreg.gather [hbm4b:s2+s3], $0x80, v3, vm0, $0xb8;
	[tilespmem:$0x1E400] =	vst v63  }
0x104: {  	v3 =	vld [tilespmem:s28+$0x170];
	_ =	sdelay $0x4  }
0x105: {  	v63 =	vperm.xlane v3, v0;
	_ =	sdelay $0x1  }
0x106: {  	v3 =	vperm.xlane v3, v2;
	v4 =	vadd.s32 v1, v63;
	_ =	sdelay $0x1  }
0x107: {  	v3 =	vadd.s32 v1, v3  }
.Ltmp2:
0x108: {  	_ = 	snop;
	(pc) =	sbr.rel .LBB2_7-.Ltmp2, $4  }
0x109: {  	s28 =	simm.s32 $0xD400  }
0x10a: {  	[tilespmem:s28], [sflag:$0x1] =	stream.indirect_vreg.gather [hbm4b:s2+s3], $0x80, v4, vm0, $0xb8;
	[tilespmem:$0x1E400] =	vst v63  }
0x10b: {  	s31 =	simm.s32 $0xDC00  }
0x10c: {  	[tilespmem:s31], [sflag:$0x1] =	stream.indirect_vreg.gather [hbm4b:s2+s3], $0x80, v3, vm0, $0xb8;
	[tilespmem:$0x1E400] =	vst v63  }
.LBB2_6:
0x10d: {  	_ =	swait.ge [sflag:s23], $0x8000  }
0x10e: {  	[sflag:s23] =	ssyncset.done $0x0  }
0x10f: {  	[sflag:s23] =	ssyncadd.s32 $0xFFFF8000  }
.LBB2_7:
0x110: {  	_ =	swait.ge [sflag:s24], $0x4000  }
0x111: {  	[sflag:s24] =	ssyncset.done $0x0  }
0x112: {  	[sflag:s24] =	ssyncadd.s32 $0xFFFFC000  }
0x113: {  	_ =	swait.ge [sflag:s25], $0x4000  }
0x114: {  	[sflag:s25] =	ssyncset.done $0x0  }
0x115: {  	s0 =	simm.s32 $0x1A420;
	[sflag:s25] =	ssyncadd.s32 $0xFFFFC000  }
0x116: {  	v3 =	vld [tilespmem:s0+$0xFFFFFFE0];
	_ =	sdelay $0x1  }
0x117: {  	s28 =	simm.s32 $0x0  }
0x118: {  	s1 =	sand.u32 $0x7800, s28;
	s6 =	sand.u32 $0x380, s28  }
0x119: {  	s1 =	sor.u32 s6, s1  }
0x11a: {  	[tilespmem:s1+$0xE800] =	vst v3  }
0x11b: {  	v3 =	vld [tilespmem:s0+$0xFFFFFFF0];
	_ =	sdelay $0x4  }
0x11c: {  	[tilespmem:s1+$0xE810] =	vst v3  }
0x11d: {  	v3 =	vld [tilespmem:s0+$0x0];
	_ =	sdelay $0x4  }
0x11e: {  	[tilespmem:s1+$0xE820] =	vst v3  }
0x11f: {  	v3 =	vld [tilespmem:s0+$0x10];
	_ =	sdelay $0x4  }
0x120: {  	[tilespmem:s1+$0xE830] =	vst v3;
	s1 =	simm.s32 $0x1A4A0  }
0x121: {  	s6 =	simm.s32 $0x100;
	s0 =	simm.s32 $0x80;
	v3 =	vld [tilespmem:s1+$0xFFFFFFE0]  }
.LBB2_8:
0x122: {  	p0 =	sne.s32 s6, $0x3F80  }
0x123: {  	s28 =	sadd.s32 $0x100, s28  }
0x124: {  	s9 =	sand.u32 $0x380, s0;
	s0 =	smov.u32 s6;
	s8 =	sand.u32 $0x7800, s28  }
0x125: {  	s8 =	sor.u32 s9, s8  }
0x126: {  	[tilespmem:s8+$0xE800] =	vst v3  }
0x127: {  	v3 =	vld [tilespmem:s1+$0xFFFFFFF0];
	_ =	sdelay $0x4  }
0x128: {  	[tilespmem:s8+$0xE810] =	vst v3  }
0x129: {  	v3 =	vld [tilespmem:s1+$0x0];
	_ =	sdelay $0x4  }
0x12a: {  	[tilespmem:s8+$0xE820] =	vst v3  }
0x12b: {  	v3 =	vld [tilespmem:s1+$0x10];
	_ =	sdelay $0x1  }
.Ltmp3:
0x12c: {  	(pc) =	sbr.rel @p0 .LBB2_8-.Ltmp3, $3  }
0x12d: {  	_ =	sdelay $0x1  }
0x12e: {  	s1 =	sadd.s32 $0x80, s1;
	[tilespmem:s8+$0xE830] =	vst v3  }
0x12f: {  	s6 =	sadd.s32 $0x80, s6;
	v3 =	vld [tilespmem:s1+$0xFFFFFFE0]  }
0x130: {  	_ = 	snop  }
0x131: {  	s6 =	sadd.s32 $0x100, s28  }
0x132: {  	s0 =	sand.u32 $0x380, s0;
	s6 =	sand.u32 $0x7800, s6  }
0x133: {  	s0 =	sor.u32 s0, s6  }
0x134: {  	[tilespmem:s0+$0xE800] =	vst v3  }
0x135: {  	v3 =	vld [tilespmem:s1+$0xFFFFFFF0];
	_ =	sdelay $0x4  }
0x136: {  	[tilespmem:s0+$0xE810] =	vst v3  }
0x137: {  	v3 =	vld [tilespmem:s1+$0x0];
	_ =	sdelay $0x4  }
0x138: {  	[tilespmem:s0+$0xE820] =	vst v3  }
0x139: {  	s26 =	sadd.s32 $0x1, s26;
	v3 =	vld [tilespmem:s1+$0x10]  }
0x13a: {  	p0 =	sne.s32 s26, $0x64  }
.Ltmp4:
0x13b: {  	s29 =	sshll.u32 s29, $0xF;
	(pc) =	sbr.rel @p0 .LBB2_2-.Ltmp4, $4  }
0x13c: {  	s1 =	sadd.s32 s7, s29  }
0x13d: {  	s1 =	sshrl.u32 s1, $0x3  }
0x13e: {  	s31 =	sadd.s32 s5, s1;
	[tilespmem:s0+$0xE830] =	vst v3  }
0x13f: {  	[hbm4b:s31+s3] =	stream.linear.scatter [tilespmem:s30], [sflag:$0x6], $0x8000, $0x38;
	[tilespmem:$0x1E400] =	vst v63  }
0x140: {  	s1 =	simm.s32 $0x6  }
0x141: {  	_ =	swait.ge [sflag:s1], $0x8000  }
0x142: {  	s6 =	rddreg [dreg:$0x5]  }
0x143: {  	s0 =	rddreg [dreg:$0x4];
	s6 =	sadd.s32 $0x1, s6  }
0x144: {  	p0 =	sne.s32 s6, s0  }
.Ltmp5:
0x145: {  	_ = 	snop;
	(pc) =	sbr.rel @p0 .LBB2_1-.Ltmp5, $3  }
0x146: {  	_ =	sdelay $0x1  }
0x147: {  	[sflag:s1] =	ssyncset.done $0x0  }
0x148: {  	[sflag:s1] =	ssyncadd.s32 $0xFFFF8000  }
0x149: {  	_ =	sfence.sel $0x180000  }
0x14a: {  	[bflag:$0x0] =	sbarrier.arrive $0xFFFF  }
0x14b: {  	_ =	strace $0x90000047  }
0x14c: {  	s0 =	stileid.u32;
	[bflag:$0x2] =	sbarrier.arrive $0xFFFF  }
0x14d: {  	p0 =	sne.s32 s0, $0x0;
	s0 =	rddreg [dreg:$0x2]  }
0x14e: {  	s0 =	sadd.s32 @!p0 $0x100000, s0  }
0x14f: {  	[sflag:s0] =	ssyncadd.tile.s32 @!p0 $0x1;
	_ =	shalt  }
.Lfunc_end2:
_tile_overlayer_lowered:
.L_overlay_start_2:
0x150: {  	(tag) =	ssettag $0x2  }
0x151: {  	s0 =	rddreg [dreg:$0x0];
	s2 =	stileid.u32  }
0x152: {  	s1 =	rddreg [dreg:$0x1];
	p0 =	sne.s32 s2, $0x0  }
0x153: {  	s3 =	rddreg [dreg:$0x2];
	[bflag:$0x3] =	sbarrier.arrive $0xFFFF;
	s2 =	simm.s32 @!p0 $0x1C07  }
0x154: {  	[timem:s3], [sflag:s2] =	dma.local @!p0 [hbm:s0], s1  }
0x155: {  	s0 =	simm.s32 @!p0 $0x7  }
0x156: {  	_ =	swait.ge @!p0 [sflag:s0], s1  }
0x157: {  	s1 =	ssub.s32 @!p0 $0x0, s1;
	[sflag:s0] =	ssyncset.done @!p0 $0x0  }
0x158: {  	[sflag:s0] =	ssyncadd.s32 @!p0 s1  }
0x159: {  	[bflag:$0x3] =	sbarrier.arrive $0xFFFF  }
0x15a: {  	_ =	shalt  }

// kernel: sparse-core-data-format-call.cloned.1.call-start
scs
called_computation_lowered:
.L_overlay_start_0:
0x0: {  	s2 =	sld [smem:$0x3FD9]  }
0x1: {  	s3 =	sld [smem:$0x3FFE];
	_ =	sdelay $0x1  }
0x2: {  	s1 =	srdreg.scid  }
0x3: {  	s0 =	sand.u32 $0x1, s1  }
0x4: {  	s18 =	sshll.u32 s0, $0xA;
	s2 =	sadd.s32 s3, s2  }
0x5: {  	s2 =	sadd.s32 s2, s18  }
0x6: {  	[smem:$0x3FC5] =	sst s2  }
0x7: {  	_ = 	snop  }
0x8: {  	s2 =	sld [smem:$0x3FD0];
	(tm) =	ssettm $0x1  }
0x9: {  	s19 =	sld [smem:$0x3FFB];
	_ =	sdelay $0x3  }
0xa: {  	_ =	strace s19  }
0xb: {  	s3 =	sld [smem:$0x3FFC];
	_ =	sdelay $0x3  }
0xc: {  	_ =	strace s3  }
0xd: {  	s3 =	sld [smem:$0x3FFD];
	_ =	sdelay $0x3  }
0xe: {  	_ =	strace s3  }
0xf: {  	_ =	strace $0x8FFFFFFF  }
0x10: {  	s20 =	sld [smem:$0x3FDB];
	_ =	sdelay $0x1  }
0x11: {  	s4 =	simm.s32 $_scs_section_size  }
0x12: {  	s5 =	simm.s32 $_size__tile_overlayer_lowered;
	s6 =	simm.s32 $_tile_overlayer_lowered  }
0x13: {  	s23 =	simm.s32 $0x1BFF;
	s22 =	sshll.u32 s6, $0x1;
	s3 =	sadd.s32 s4, s20  }
0x14: {  	s7 =	simm.s32 $0x0;
	s21 =	sshll.u32 s5, $0x1;
	s5 =	sadd.s32 s22, s3  }
0x15: {  	[timem:s7], [sflag:s23] =	dma.local [hbm:s5], s21  }
0x16: {  	_ =	swait.ge [sflag:s23], s21  }
0x17: {  	s4 =	ssub.s32 $0x0, s21;
	[sflag:s23] =	ssyncset.done $0x0  }
0x18: {  	[sflag:s23] =	ssyncadd.s32 s4;
	_ =	sdelay $0x1  }
0x19: {  	s24 =	simm.s32 $0x1B8B  }
0x1a: {  	_ =	swait.ge [sflag:s24], $0x1  }
0x1b: {  	[sflag:s24] =	ssyncset.done $0x0  }
0x1c: {  	s26 =	simm.s32 $0x1B8E;
	s25 =	sld [smem:$0x3FFE];
	[sflag:s24] =	ssyncadd.s32 $0xFFFFFFFF  }
0x1d: {  	s27 =	simm.s32 $execute0_lowered;
	[smem:$0x3FD2] =	sst s26  }
0x1e: {  	s5 =	sshll.u32 s27, $0x1;
	_ =	strace $0x80000049;
	[dreg:$0x1] =	wrdreg $0xFFFFFFFF  }
0x1f: {  	s28 =	simm.s32 $_size_execute0_lowered;
	s3 =	sadd.s32 s3, s5;
	[dreg:$0x0] =	wrdreg $0x0  }
0x20: {  	s5 =	sshll.u32 s28, $0x1;
	[dreg:$0x2] =	wrdreg s3  }
0x21: {  	[dreg:$0x3] =	wrdreg s5  }
0x22: {  	[dreg:$0x4] =	wrdreg $0xC0  }
0x23: {  	_ =	task [dreg:s7], $0x5FFFF  }
0x24: {  	[dreg:$0x1] =	wrdreg $0xFFFFFFFF  }
0x25: {  	[dreg:$0x0] =	wrdreg $0x60  }
0x26: {  	[dreg:$0x2] =	wrdreg s25  }
0x27: {  	[dreg:$0x3] =	wrdreg s2  }
0x28: {  	[dreg:$0x4] =	wrdreg $0x9  }
0x29: {  	_ =	task.clear_ibuf [dreg:s7], $0x5FFFF;
	_ =	strace $0x90000049  }
0x2a: {  	s29 =	simm.s32 $0x9;
	_ =	strace $0x8000004B  }
0x2b: {  	_ =	swait.ge [sflag:s29], $0x1  }
0x2c: {  	[sflag:s29] =	ssyncadd.s32 $0xFFFFFFFF  }
0x2d: {  	_ =	strace $0x9000004B  }
0x2e: {  	_ =	sfence  }
0x2f: {  	s30 =	sld [smem:$0x0];
	_ =	sdelay $0x2  }
0x30: {  	s31 =	sshll.u32 s1, $0xD;
	s1 =	sshrl.u32 s1, $0x2  }
0x31: {  	s3 =	sand.u32 $0x4000, s31;
	s1 =	sadd.s32 s1, s30  }
0x32: {  	s0 =	sor.u32 s3, s0;
	s1 =	sshll.u32 s1, $0x11  }
0x33: {  	s0 =	sor.u32 s1, s0  }
0x34: {  	s0 =	sadd.s32 $0x8F2B, s0  }
0x35: {  	[sflag:s0] =	ssyncadd.remote.s32 $0x1  }
0x36: {  	_ =	sfence.sel $0xFFFF  }
0x37: {  	[dreg:$0x0] =	wrdreg $0xFFFFFFFF;
	(pc) =	sbr.abs _section_cstart, $3  }
0x38: {  	[dreg:$0x1] =	wrdreg $0xFFFFFFFF  }
0x39: {  	_ =	task.clear_ibuf [dreg:s7], $0x2FFFF;
	_ =	strace $0x9FFFFFFF  }
0x3a: {  	(tm) =	ssettm $0x7FFFFFFF  }
0x3b: {  	_ =	shalt  }
tec
execute0_lowered:
.L_overlay_start_1:
0x0: {  	(tag) =	ssettag $0x1  }
0x1: {  	s0 =	srdreg.scid;
	s6 =	rddreg [dreg:$0x0]  }
0x2: {  	s3 =	rddreg [dreg:$0x1];
	s1 =	sshll.u32 s0, $0x4  }
0x3: {  	s5 =	simm.s32 $0x1;
	s0 =	stileid.u32;
	s1 =	sand.u32 $0x10, s1  }
0x4: {  	s31 =	simm.s32 $0x2;
	s16 =	simm.s32 $0x0;
	s1 =	sor.u32 s0, s1  }
0x5: {  	s8 =	simm.s32 $0x8000;
	s18 =	simm.s32 $0x0;
	s2 =	sshll.u32 s1, $0x7  }
0x6: {  	s17 =	simm.s32 $0x0;
	s9 =	simm.s32 $0x0;
	s4 =	ssub.s32 $0x1000, s2  }
0x7: {  	s10 =	simm.s32 $0x0;
	s11 =	simm.s32 $0x0;
	s30 =	sand.u32 $0xF80, s4  }
0x8: {  	s12 =	simm.s32 $0x0;
	s13 =	simm.s32 $0x0;
	p0 =	sne.s32 s30, $0x0  }
.Ltmp0:
0x9: {  	s7 =	sshrl.u32 s4, $0xC;
	s5 =	simm.s32 @!p0 $0x0;
	(pc) =	sbr.rel .LBB1_1-.Ltmp0, $4  }
0xa: {  	s15 =	simm.s32 $0x0;
	s1 =	rddreg [dreg:$0x2];
	s5 =	sadd.s32 s5, s7  }
0xb: {  	_ =	strace $0x8000004A;
	s4 =	simm.s32 $0x1;
	s5 =	smul.u32 $0x190, s5  }
0xc: {  	s6 =	sadd.s32 $0x1A0200, s6;
	s14 =	smov.u32 s2;
	[sflag:s4] =	ssyncpa.u1 $0x0  }
0xd: {  	[sflag:s31] =	ssyncpa.u1 $0x0;
	p0 =	por $0x0, $0x0;
	s7 =	sor.u32 $0x1, s5  }
.LBB1_4:
0xe: {  	s23 =	sshra.s32 s23, $0x2;
	s30 =	sshll.u32 s9, $0xC  }
0xf: {  	p1 =	sgt.s32 s10, $0xC7;
	s24 =	smov.u32 s10;
	s25 =	sshra.s32 s10, $0x1F  }
0x10: {  	s26 =	sshll.u32 s11, $0x3;
	s28 =	smov.u32 s11;
	s29 =	sshra.s32 s11, $0x1F  }
0x11: {  	s22 =	sadd.s32 s23, s22;
	s24 =	simm.s32 @!p1 $0xC7;
	s25 =	sand.u32 s25, s10  }
0x12: {  	s23 =	sand.u32 $0xFFFF8000, s30;
	s27 =	sand.u32 $0xFFFFFC00, s26;
	p1 =	sgt.s32 s9, $0x40  }
0x13: {  	s31 =	sand.u32 s29, s11;
	s29 =	sshll.u32 s9, $0x7;
	s30 =	sshra.s32 s9, $0x1F  }
0x14: {  	[tilespmem:s21+$0x2040 ss:$0x81] =	vst.msk $0xffff, v4;
	s24 =	ssub.s32 s24, s25;
	s23 =	sadd.s32 s27, s23;
	s27 =	smov.u32 s9  }
0x15: {  	[tilespmem:s21+$0x2850 ss:$0x81] =	vst.msk $0xffff, v3;
	s29 =	sand.u32 $0x380, s29;
	s25 =	sadd.s32 $0xFFFFFF39, s24;
	s27 =	simm.s32 @!p1 $0x40  }
0x16: {  	v5 =	vld [tilespmem:s20+$0xFFFFFFD0];
	[tilespmem:s21+$0x3060 ss:$0x81] =	vst.msk $0xffff, v2;
	p1 =	sgt.s32 s11, $0xF80;
	s23 =	sshrl.u32 s23, $0xC;
	s24 =	ssub.s32 $0xC8, s24  }
0x17: {  	v58 =	vld [tilespmem:s20+$0xFFFFFFE0];
	[tilespmem:s21+$0x0 ss:$0x81] =	vst.msk $0xffff, v1;
	s28 =	simm.s32 @!p1 $0xF80;
	p1 =	sgt.s32 s25, $0x0;
	s21 =	smulhi.u32 $0x1555556, s23  }
0x18: {  	v59 =	vld [tilespmem:s20+$0xFFFFFFF0];
	s25 =	ssub.s32 s28, s31;
	s28 =	sand.u32 s30, s9;
	s24 =	simm.s32 @p1 $0x0  }
0x19: {  	v60 =	vld [tilespmem:s20+$0x0];
	s27 =	ssub.s32 s27, s28;
	s31 =	sadd.s32 $0xFFFFF080, s25;
	s25 =	ssub.s32 $0x1000, s25  }
0x1a: {  	v61 =	vld [tilespmem:s20+$0x10];
	[tilespmem:s22+$0x3870 ss:$0x81] =	vst.msk $0xffff, v0;
	s21 =	smul.u32 $0xC0, s21;
	s28 =	sand.u32 $0x7, s11;
	p1 =	sgt.s32 s31, $0x7F  }
0x1b: {  	v62 =	vld [tilespmem:s20+$0x20];
	[tilespmem:s22+$0x810 ss:$0x81] =	vst.msk $0xffff, v5;
	s30 =	sadd.s32 $0xFFFFFFC0, s27;
	s31 =	sand.u32 $0x78, s11;
	s25 =	simm.s32 @p1 $0x0  }
0x1c: {  	v63 =	vld [tilespmem:s20+$0xFFFFFFC0];
	[tilespmem:s22+$0x1020 ss:$0x81] =	vst.msk $0xffff, v58;
	p1 =	sgt.s32 s30, $0x7F;
	s30 =	sand.u32 $0xC00, s26;
	s24 =	smul.u32 s25, s24  }
0x1d: {  	[tilespmem:s22+$0x1830 ss:$0x81] =	vst.msk $0xffff, v59;
	s26 =	ssub.s32 $0xC0, s27;
	s20 =	sor.u32 s31, s30;
	s31 =	smul.u32 $0x18000, s10  }
0x1e: {  	[tilespmem:s22+$0x2040 ss:$0x81] =	vst.msk $0xffff, v60;
	s21 =	ssub.s32 s23, s21;
	s26 =	simm.s32 @p1 $0x0;
	s20 =	sor.u32 s29, s20  }
0x1f: {  	[tilespmem:s22+$0x2850 ss:$0x81] =	vst.msk $0xffff, v61;
	s26 =	smul.u32 s26, s24;
	s20 =	sshrl.u32 s20, $0x3;
	s27 =	sadd.s32 s3, s31  }
0x20: {  	[tilespmem:s22+$0x3060 ss:$0x81] =	vst.msk $0xffff, v62;
	s21 =	sshll.u32 s21, $0x9;
	s29 =	sshll.u32 s28, $0x12;
	s20 =	sadd.s32 s20, s27  }
0x21: {  	[tilespmem:s22+$0x0 ss:$0x81] =	vst.msk $0xffff, v63;
	s31 =	sor.u32 $0x400, s29;
	s30 =	sand.u32 $0x3FFFFFFF, s26;
	s20 =	sadd.s32 s21, s20  }
0x22: {  	[hbm4b:s20+s31] =	stream.strided.scatter [tilespmem:s19], [sflag:$0x2], s30, s8, s31, $0x20;
	[tilespmem:$0x10100] =	vst v63  }
.LBB1_5:
0x23: {  	p1 =	slt.u32 s15, $0x2  }
0x24: {  	p2 =	sgt.s32 @!p1 s18, $0xC7  }
0x25: {  	s19 =	smov.u32 s18;
	s20 =	sshra.s32 @!p1 s18, $0x1F;
	p2 =	por !p2, p1  }
0x26: {  	s18 =	sand.u32 @!p1 s20, s18;
	s19 =	simm.s32 @p2 $0xC7  }
0x27: {  	p3 =	sgt.s32 @!p1 s16, $0x40;
	s18 =	ssub.s32 @!p1 s19, s18  }
0x28: {  	p4 =	sgt.s32 @!p1 s17, $0xF80;
	s21 =	sshra.s32 @!p1 s17, $0x1F;
	s19 =	sadd.s32 @!p1 $0xFFFFFF39, s18  }
0x29: {  	s20 =	smov.u32 s16;
	p2 =	sgt.s32 @!p1 s19, $0x0;
	s19 =	sshra.s32 @!p1 s16, $0x1F  }
0x2a: {  	p4 =	por !p4, p1;
	s16 =	sand.u32 @!p1 s19, s16;
	s19 =	smov.u32 s17  }
0x2b: {  	p3 =	por !p3, p1;
	s17 =	sand.u32 @!p1 s21, s17;
	s19 =	simm.s32 @p4 $0xF80  }
0x2c: {  	s20 =	simm.s32 @p3 $0x40;
	s18 =	ssub.s32 @!p1 $0xC8, s18;
	s17 =	ssub.s32 @!p1 s19, s17  }
0x2d: {  	p2 =	por !p2, p1;
	s16 =	ssub.s32 @!p1 s20, s16;
	s20 =	sadd.s32 @!p1 $0xFFFFF080, s17  }
0x2e: {  	s18 =	simm.s32 @!p2 $0x0;
	p3 =	sgt.s32 @!p1 s20, $0x7F  }
0x2f: {  	s19 =	sadd.s32 @!p1 $0xFFFFFFC0, s16;
	s17 =	ssub.s32 @!p1 $0x1000, s17;
	p3 =	por !p3, p1  }
0x30: {  	p2 =	sgt.s32 @!p1 s19, $0x7F;
	s19 =	sadd.s32 $0x80, s12;
	s17 =	simm.s32 @!p3 $0x0  }
0x31: {  	p3 =	sgt.s32 s19, $0xBF;
	s17 =	smul.u32 @!p1 s17, s18;
	s18 =	simm.s32 $0x1  }
0x32: {  	s16 =	ssub.s32 @!p1 $0xC0, s16;
	p2 =	por !p2, p1;
	s18 =	simm.s32 @!p3 $0x0  }
0x33: {  	s21 =	smov.u32 s14;
	s16 =	simm.s32 @!p2 $0x0;
	s20 =	sadd.s32 s18, s13  }
0x34: {  	s16 =	smul.u32 @!p1 s16, s17;
	s17 =	sadd.s32 $0x1000, s14;
	p2 =	sgt.s32 s20, $0xC7  }
0x35: {  	p0 =	por !p0, !p0;
	s22 =	simm.s32 @!p1 $0x2;
	s21 =	smov.u32 @p2 s17  }
0x36: {  	s19 =	simm.s32 @p3 $0x0;
	s20 =	simm.s32 @p2 $0x0;
	p2 =	sgt.s32 s21, $0xFFF  }
0x37: {  	s18 =	smov.u32 s10;
	s21 =	smov.u32 @p2 s2;
	p2 =	sne.s32 s15, s7  }
.Ltmp1:
0x38: {  	s10 =	smov.u32 s13;
	s16 =	sand.u32 @!p1 $0x3FFFFFFF, s16;
	(pc) =	sbr.rel @!p2 .LBB1_6-.Ltmp1, $4  }
0x39: {  	s17 =	smov.u32 s11;
	s11 =	smov.u32 s14;
	_ =	swait.ge @!p1 [sflag:s22], s16  }
0x3a: {  	s23 =	ssub.s32 @!p1 $0x0, s16;
	s16 =	smov.u32 s9;
	s9 =	smov.u32 s12  }
0x3b: {  	s12 =	smov.u32 s19;
	s13 =	smov.u32 s20;
	[sflag:s22] =	ssyncset.done @!p1 $0x0  }
0x3c: {  	s15 =	sadd.s32 $0x1, s15;
	[sflag:s22] =	ssyncadd.s32 @!p1 s23;
	s14 =	smov.u32 s21  }
.LBB1_1:
0x3d: {  	p1 =	sge.u32 s15, s5  }
0x3e: {  	s19 =	sshll.u32 @!p1 s13, $0x8;
	s20 =	sshll.u32 @!p1 s12, $0x3  }
0x3f: {  	s21 =	sshll.u32 @!p1 s13, $0x7;
	s19 =	sand.u32 @!p1 $0xFFFFF800, s19;
	s20 =	sand.u32 @!p1 $0xFFFFFC00, s20  }
0x40: {  	s19 =	sadd.s32 @!p1 s19, s20;
	s20 =	sand.u32 @!p1 $0x300, s21  }
0x41: {  	s19 =	sor.u32 @!p1 s20, s19  }
0x42: {  	s19 =	sshrl.u32 @!p1 s19, $0x8  }
0x43: {  	s31 =	sadd.s32 $0xFFFFFFFF, s15;
	s20 =	smulhi.u32 @!p1 $0x147AE15, s19  }
0x44: {  	s22 =	sxor.u32 @!p1 $0xFFFFFFFF, s15;
	s23 =	sand.u32 @!p1 $0x78, s12;
	s24 =	smul.u32 @!p1 $0x1900, s14  }
0x45: {  	s22 =	sshll.u32 @!p1 s22, $0xE;
	s21 =	sand.u32 @!p1 $0x80, s21;
	s20 =	smul.u32 @!p1 $0xC8, s20  }
0x46: {  	s22 =	sand.u32 @!p1 $0x4000, s22;
	s21 =	sor.u32 @!p1 s23, s21;
	s23 =	sand.u32 @!p1 $0x7, s12  }
0x47: {  	s19 =	ssub.s32 @!p1 s19, s20;
	s20 =	sshrl.u32 @!p1 s21, $0x3;
	s21 =	sadd.s32 @!p1 s6, s24  }
0x48: {  	s19 =	sshll.u32 @!p1 s19, $0x5;
	s20 =	sadd.s32 @!p1 s20, s21;
	s21 =	sshll.u32 @!p1 s23, $0x12  }
0x49: {  	s19 =	sadd.s32 @!p1 s19, s20;
	s20 =	sor.u32 @!p1 $0x80, s21;
	s21 =	simm.s32 @!p1 $0xC800  }
0x4a: {  	[tilespmem:s22], [sflag:$0x1] =	stream.strided.gather @!p1 [hbm4b:s19+s20], $0x4000, s21, s20, $0x38;
	[tilespmem:$0x10100] =	vst v63  }
0x4b: {  	p1 =	sge.u32 s31, s5  }
.Ltmp2:
0x4c: {  	_ = 	snop;
	(pc) =	sbr.rel @p1 .LBB1_5-.Ltmp2, $1  }
0x4d: {  	_ =	sdelay $0x3  }
0x4e: {  	s19 =	simm.s32 $0x1  }
0x4f: {  	_ =	swait.ge [sflag:s4], $0x4000;
	s19 =	simm.s32 @!p0 $0x0  }
0x50: {  	[sflag:s4] =	ssyncset.done $0x0;
	s20 =	sshll.u32 s19, $0xE  }
0x51: {  	[sflag:s4] =	ssyncadd.s32 $0xFFFFC000;
	s20 =	sor.u32 $0x40, s20  }
0x52: {  	s19 =	smul.u32 $0x10200, s19;
	v0 =	vld [tilespmem:s20+$0x30]  }
0x53: {  	v1 =	vld [tilespmem:s20+$0xFFFFFFD0]  }
0x54: {  	s19 =	sshrl.u32 s19, $0x2;
	v5 =	vld [tilespmem:s20+$0xFFFFFFE0]  }
0x55: {  	v6 =	vld [tilespmem:s20+$0xFFFFFFF0];
	s22 =	sor.u32 $0x8000, s19  }
0x56: {  	s31 =	sand.u32 $0x1, s15;
	v4 =	vld [tilespmem:s20+$0x0];
	s21 =	sadd.s32 $0x0, s22  }
0x57: {  	v3 =	vld [tilespmem:s20+$0x10];
	s19 =	smul.u32 $0x10200, s31;
	[tilespmem:s21+$0x3870 ss:$0x81] =	vst.msk $0xffff, v0  }
0x58: {  	v2 =	vld [tilespmem:s20+$0x20];
	[tilespmem:s21+$0x810 ss:$0x81] =	vst.msk $0xffff, v1  }
0x59: {  	s19 =	sshrl.u32 s19, $0x2;
	v1 =	vld [tilespmem:s20+$0xFFFFFFC0];
	[tilespmem:s21+$0x1020 ss:$0x81] =	vst.msk $0xffff, v5;
	s20 =	sadd.s32 $0x80, s20  }
0x5a: {  	s23 =	simm.s32 $0x4;
	s24 =	simm.s32 $0x8;
	s19 =	sor.u32 $0x8000, s19;
	[tilespmem:s21+$0x1830 ss:$0x81] =	vst.msk $0xffff, v6;
	v0 =	vld [tilespmem:s20+$0x30]  }
.LBB1_3:
0x5b: {  	p1 =	sne.s32 s24, $0x1FC;
	v5 =	vld [tilespmem:s20+$0xFFFFFFD0];
	[tilespmem:s21+$0x2040 ss:$0x81] =	vst.msk $0xffff, v4  }
0x5c: {  	v6 =	vld [tilespmem:s20+$0xFFFFFFE0];
	[tilespmem:s21+$0x2850 ss:$0x81] =	vst.msk $0xffff, v3  }
0x5d: {  	s25 =	sshra.s32 s23, $0x2;
	s23 =	smov.u32 s24;
	v7 =	vld [tilespmem:s20+$0xFFFFFFF0];
	[tilespmem:s21+$0x3060 ss:$0x81] =	vst.msk $0xffff, v2  }
.Ltmp3:
0x5e: {  	v4 =	vld [tilespmem:s20+$0x0];
	[tilespmem:s21+$0x0 ss:$0x81] =	vst.msk $0xffff, v1;
	s21 =	sadd.s32 s25, s22;
	(pc) =	sbr.rel @p1 .LBB1_3-.Ltmp3, $4  }
0x5f: {  	v3 =	vld [tilespmem:s20+$0x10];
	[tilespmem:s21+$0x3870 ss:$0x81] =	vst.msk $0xffff, v0  }
0x60: {  	[tilespmem:s21+$0x810 ss:$0x81] =	vst.msk $0xffff, v5;
	v2 =	vld [tilespmem:s20+$0x20]  }
0x61: {  	v1 =	vld [tilespmem:s20+$0xFFFFFFC0];
	[tilespmem:s21+$0x1020 ss:$0x81] =	vst.msk $0xffff, v6;
	s20 =	sadd.s32 $0x80, s20  }
0x62: {  	s24 =	sadd.s32 $0x4, s24;
	v0 =	vld [tilespmem:s20+$0x30];
	[tilespmem:s21+$0x1830 ss:$0x81] =	vst.msk $0xffff, v7  }
.Ltmp4:
0x63: {  	_ = 	snop;
	(pc) =	sbr.rel .LBB1_4-.Ltmp4, $1  }
0x64: {  	_ =	sdelay $0x3  }
.LBB1_6:
0x65: {  	_ =	sfence.sel $0x180000  }
0x66: {  	s2 =	simm.s32 $0x1;
	[bflag:$0x0] =	sbarrier.arrive $0xFFFF  }
0x67: {  	s31 =	simm.s32 $0x2;
	[sflag:s2] =	ssyncpa.u1 $0x1  }
0x68: {  	[sflag:s31] =	ssyncpa.u1 $0x1  }
0x69: {  	p0 =	sne.s32 s0, $0x0;
	_ =	strace $0x9000004A  }
0x6a: {  	s0 =	sadd.s32 @!p0 $0x100000, s1;
	[bflag:$0x2] =	sbarrier.arrive $0xFFFF  }
0x6b: {  	[sflag:s0] =	ssyncadd.tile.s32 @!p0 $0x1;
	_ =	shalt  }
.Lfunc_end1:
_tile_overlayer_lowered:
.L_overlay_start_2:
0x6c: {  	(tag) =	ssettag $0x2  }
0x6d: {  	s0 =	rddreg [dreg:$0x0];
	s2 =	stileid.u32  }
0x6e: {  	s1 =	rddreg [dreg:$0x1];
	p0 =	sne.s32 s2, $0x0  }
0x6f: {  	s3 =	rddreg [dreg:$0x2];
	[bflag:$0x3] =	sbarrier.arrive $0xFFFF;
	s2 =	simm.s32 @!p0 $0x1C01  }
0x70: {  	[timem:s3], [sflag:s2] =	dma.local @!p0 [hbm:s0], s1  }
0x71: {  	s0 =	simm.s32 @!p0 $0x1  }
0x72: {  	_ =	swait.ge @!p0 [sflag:s0], s1  }
0x73: {  	s1 =	ssub.s32 @!p0 $0x0, s1;
	[sflag:s0] =	ssyncset.done @!p0 $0x0  }
0x74: {  	[sflag:s0] =	ssyncadd.s32 @!p0 s1  }
0x75: {  	[bflag:$0x3] =	sbarrier.arrive $0xFFFF  }
0x76: {  	_ =	shalt  }

</sc_bundles>
